<compile_context>
chip_gen: v7x
topology: tpu7x:2x2x1
jax: 0.10.2.dev20260603
libtpu: 0.0.44.dev20260713+nightly
codegen_flags: <defaults>
</compile_context>

<pallas_src>
import functools

import jax
import jax.numpy as jnp
from jax import lax
from jax.experimental import pallas as pl
from jax.experimental.pallas import tpu as pltpu
from jax.experimental.pallas import tpu_sc as plsc

_B, _L, _H = 1024, 200, 128
_N = _B * _L
_MAXPOS = 512
_NC, _NS, _LANES = 2, 16, 16
_NW = _NC * _NS
_PER_W = _N // _NW
_C = 32
_CHUNKS = _PER_W // _C
_HV = _H // _LANES
_EPS = 1e-12
_SETS = 4


def _rsqrt(x):
    i = lax.bitcast_convert_type(x, jnp.int32)
    i = jnp.int32(0x5F3759DF) - lax.shift_right_arithmetic(i, 1)
    y = lax.bitcast_convert_type(i, jnp.float32)
    for _ in range(3):
        y = y * (1.5 - 0.5 * x * y * y)
    return y


_mesh = plsc.VectorSubcoreMesh(
    core_axis_name="c", subcore_axis_name="s", num_cores=_NC, num_subcores=_NS
)


@functools.partial(
    pl.kernel,
    out_type=jax.ShapeDtypeStruct((_N * _H,), jnp.float32),
    mesh=_mesh,
    compiler_params=pltpu.CompilerParams(needs_layout_passes=False),
    scratch_types=[
        pltpu.VMEM((_PER_W,), jnp.int32),
        pltpu.VMEM((_PER_W,), jnp.int32),
        pltpu.VMEM((_C, _H), jnp.float32),
        pltpu.VMEM((_C, _H), jnp.float32),
        pltpu.VMEM((_C, _H), jnp.float32),
        pltpu.VMEM((_C, _H), jnp.float32),
        pltpu.VMEM((_C * _H,), jnp.float32),
        pltpu.VMEM((_C * _H,), jnp.float32),
        pltpu.VMEM((_C * _H,), jnp.float32),
        pltpu.VMEM((_C * _H,), jnp.float32),
        pltpu.VMEM((_C * _H,), jnp.float32),
        pltpu.VMEM((_C * _H,), jnp.float32),
        pltpu.VMEM((_C * _H,), jnp.float32),
        pltpu.VMEM((_C * _H,), jnp.float32),
        pltpu.VMEM((_H,), jnp.float32),
        pltpu.VMEM((_H,), jnp.float32),
        pltpu.VMEM_SHARED((_MAXPOS, _H), jnp.float32),
        pltpu.SemaphoreType.DMA,
        pltpu.SemaphoreType.DMA,
        pltpu.SemaphoreType.DMA,
        pltpu.SemaphoreType.DMA,
        pltpu.SemaphoreType.DMA,
        pltpu.SemaphoreType.DMA,
        pltpu.SemaphoreType.DMA,
        pltpu.SemaphoreType.DMA,
        pltpu.SemaphoreType.DMA,
        pltpu.SemaphoreType.DMA,
        pltpu.SemaphoreType.DMA,
        pltpu.SemaphoreType.DMA,
        pltpu.SemaphoreType.DMA,
        pltpu.SemaphoreType.DMA,
        pltpu.SemaphoreType.DMA,
        pltpu.SemaphoreType.DMA,
    ],
)
def _sc_embed(cid_hbm, pid_hbm, rel_hbm, ctab_hbm, ptab_hbm, w_hbm, b_hbm,
              out_hbm, cid_v, pid_v, x0, x1, x2, x3, r0, r1, r2, r3,
              o0, o1, o2, o3, w_v, b_v, ptab_sh,
              csa, csb, csc, csd, psa, psb, psc, psd,
              rsa, rsb, rsc, rsd, osa, osb, osc, osd):
    sid = lax.axis_index("s")
    wid = sid * _NC + lax.axis_index("c")
    base = wid * _PER_W

    @pl.when(sid == 0)
    def _():
        pltpu.sync_copy(ptab_hbm, ptab_sh)

    pltpu.sync_copy(cid_hbm.at[pl.ds(base, _PER_W)], cid_v)
    pltpu.sync_copy(pid_hbm.at[pl.ds(base, _PER_W)], pid_v)
    pltpu.sync_copy(w_hbm, w_v)
    pltpu.sync_copy(b_hbm, b_v)
    plsc.subcore_barrier()

    wregs = [w_v[pl.ds(_LANES * j, _LANES)] for j in range(_HV)]
    bregs = [b_v[pl.ds(_LANES * j, _LANES)] for j in range(_HV)]

    xbufs = [x0, x1, x2, x3]
    rbufs = [r0, r1, r2, r3]
    obufs = [o0, o1, o2, o3]
    csems = [csa, csb, csc, csd]
    psems = [psa, psb, psc, psd]
    rsems = [rsa, rsb, rsc, rsd]
    osems = [osa, osb, osc, osd]

    def issue_c(ci, k):
        off = ci * _C
        pltpu.async_copy(ctab_hbm.at[cid_v.at[pl.ds(off, _C)]], xbufs[k], csems[k])
        pltpu.async_copy(rel_hbm.at[pl.ds((base + off) * _H, _C * _H)],
                         rbufs[k], rsems[k])

    def issue_p(ci, k):
        off = ci * _C
        pltpu.make_async_copy(ctab_hbm.at[pl.ds(0, _C)], xbufs[k], csems[k]).wait()
        pltpu.async_copy(ptab_sh.at[pid_v.at[pl.ds(off, _C)]], xbufs[k],
                         psems[k], add=True)

    def compute(ci, k, pending_out):
        off = ci * _C
        pltpu.make_async_copy(ptab_sh.at[pl.ds(0, _C)], xbufs[k], psems[k]).wait()
        pltpu.make_async_copy(rel_hbm.at[pl.ds(0, _C * _H)], rbufs[k], rsems[k]).wait()

        @pl.when(pending_out)
        def _():
            pltpu.make_async_copy(
                obufs[k], out_hbm.at[pl.ds(0, _C * _H)], osems[k]).wait()

        rel_v, x_v, out_v = rbufs[k], xbufs[k], obufs[k]
        pltpu.async_copy(out_v, out_hbm.at[pl.ds((base + off) * _H, _C * _H)],
                         osems[k])

    issue_c(0, 0)
    issue_c(1, 1)
    issue_p(0, 0)

    @pl.loop(0, _CHUNKS, step=_SETS)
    def _quad(i):
        for rpos in range(_SETS):
            ci = i + rpos

            @pl.when(ci + 2 < _CHUNKS)
            def _(ci=ci, k=(rpos + 2) % _SETS):
                issue_c(ci + 2, k)

            @pl.when(ci + 1 < _CHUNKS)
            def _(ci=ci, k=(rpos + 1) % _SETS):
                issue_p(ci + 1, k)

            compute(ci, rpos, ci >= _SETS)

    for k in range(_SETS):
        pltpu.make_async_copy(obufs[k], out_hbm.at[pl.ds(0, _C * _H)],
                              osems[k]).wait()


def kernel(concept_ids, concept_rel_embeds, position_ids, concept_table,
           pos_table, ln_weight, ln_bias):
    cids = concept_ids.reshape(-1).astype(jnp.int32)
    pids = position_ids.reshape(-1).astype(jnp.int32)
    rel = concept_rel_embeds.astype(jnp.float32).reshape(-1)
    out = _sc_embed(cids, pids, rel, concept_table, pos_table,
                    ln_weight, ln_bias)
    return out.reshape(_B, _L, _H)

# --- scband reference (transcript-rebuilt; emitter-appended) ---
"""Pipeline reference for scband-pickt-concept-embedding-3745211482561 (READ-ONLY COPY).

The authoritative reference and input builder live on the scoring server;
editing this copy changes nothing except your own understanding.
"""

import jax, jax.numpy as jnp
import numpy as np

B, L, H = 1024, 200, 128
NUM_CONCEPT = 100000
MAX_POS = 512
PAD_ID = 0
EPS = 1e-12

def setup_inputs(seed: int = 0) -> dict:
    key = jax.random.key(seed)
    k1, k2, k3, k4, k5 = jax.random.split(key, 5)
    concept_ids = jax.random.randint(k1, (B, L), 0, NUM_CONCEPT, dtype=jnp.int32).astype(jnp.int64)
    position_ids = jax.random.randint(k2, (B, L), 0, MAX_POS, dtype=jnp.int32).astype(jnp.int64)
    concept_rel_embeds = jax.random.normal(k3, (B, L, H), dtype=jnp.float32)
    concept_table = jax.random.normal(k4, (NUM_CONCEPT, H), dtype=jnp.float32) * 0.02
    concept_table = concept_table.at[PAD_ID].set(0.0)  # padding_idx row is zero in torch nn.Embedding
    pos_table = jax.random.normal(k5, (MAX_POS, H), dtype=jnp.float32) * 0.02
    ln_weight = jnp.ones((H,), dtype=jnp.float32)
    ln_bias = jnp.zeros((H,), dtype=jnp.float32)
    return {
        'concept_ids': concept_ids,
        'concept_rel_embeds': concept_rel_embeds,
        'position_ids': position_ids,
        'concept_table': concept_table,
        'pos_table': pos_table,
        'ln_weight': ln_weight,
        'ln_bias': ln_bias,
    }

def reference(concept_ids, concept_rel_embeds, position_ids, concept_table, pos_table, ln_weight, ln_bias):
    position_embeddings = jnp.take(pos_table, position_ids, axis=0)
    concept_embeds = jnp.take(concept_table, concept_ids, axis=0)
    mask = (concept_ids == PAD_ID)
    rel = jnp.where(mask[..., None], 0.0, concept_rel_embeds)
    x = concept_embeds + rel + position_embeddings
    mean = jnp.mean(x, axis=-1, keepdims=True)
    var = jnp.mean((x - mean) ** 2, axis=-1, keepdims=True)
    x = (x - mean) / jnp.sqrt(var + EPS)
    x = x * ln_weight + ln_bias
    # dropout is identity in eval mode
    return x

if __name__ == "__main__":
    import jax
    _d = setup_inputs()
    print(jax.jit(kernel)(*tuple(_d.values())))

</pallas_src>

<mosaic_0001>
#map = affine_map<(d0, d1) -> (0)>
#map1 = affine_map<(d0, d1) -> (0, 0)>
module attributes {stable_mosaic.version = 14 : i64} {
  func.func @_sc_embed(%arg0: i32, %arg1: i32, %arg2: memref<204800xi32, #tpu.memory_space<hbm>>, %arg3: memref<204800xi32, #tpu.memory_space<hbm>>, %arg4: memref<26214400xf32, #tpu.memory_space<hbm>>, %arg5: memref<100000x128xf32, #tpu.memory_space<hbm>>, %arg6: memref<512x128xf32, #tpu.memory_space<hbm>>, %arg7: memref<128xf32, #tpu.memory_space<hbm>>, %arg8: memref<128xf32, #tpu.memory_space<hbm>>, %arg9: memref<26214400xf32, #tpu.memory_space<hbm>>, %arg10: memref<6400xi32, #tpu.memory_space<vmem>>, %arg11: memref<6400xi32, #tpu.memory_space<vmem>>, %arg12: memref<32x128xf32, #tpu.memory_space<vmem>>, %arg13: memref<32x128xf32, #tpu.memory_space<vmem>>, %arg14: memref<32x128xf32, #tpu.memory_space<vmem>>, %arg15: memref<32x128xf32, #tpu.memory_space<vmem>>, %arg16: memref<4096xf32, #tpu.memory_space<vmem>>, %arg17: memref<4096xf32, #tpu.memory_space<vmem>>, %arg18: memref<4096xf32, #tpu.memory_space<vmem>>, %arg19: memref<4096xf32, #tpu.memory_space<vmem>>, %arg20: memref<4096xf32, #tpu.memory_space<vmem>>, %arg21: memref<4096xf32, #tpu.memory_space<vmem>>, %arg22: memref<4096xf32, #tpu.memory_space<vmem>>, %arg23: memref<4096xf32, #tpu.memory_space<vmem>>, %arg24: memref<128xf32, #tpu.memory_space<vmem>>, %arg25: memref<128xf32, #tpu.memory_space<vmem>>, %arg26: memref<512x128xf32, #tpu.memory_space<vmem_shared>>, %arg27: memref<!tpu.dma_semaphore, #tpu.memory_space<semaphore_mem>>, %arg28: memref<!tpu.dma_semaphore, #tpu.memory_space<semaphore_mem>>, %arg29: memref<!tpu.dma_semaphore, #tpu.memory_space<semaphore_mem>>, %arg30: memref<!tpu.dma_semaphore, #tpu.memory_space<semaphore_mem>>, %arg31: memref<!tpu.dma_semaphore, #tpu.memory_space<semaphore_mem>>, %arg32: memref<!tpu.dma_semaphore, #tpu.memory_space<semaphore_mem>>, %arg33: memref<!tpu.dma_semaphore, #tpu.memory_space<semaphore_mem>>, %arg34: memref<!tpu.dma_semaphore, #tpu.memory_space<semaphore_mem>>, %arg35: memref<!tpu.dma_semaphore, #tpu.memory_space<semaphore_mem>>, %arg36: memref<!tpu.dma_semaphore, #tpu.memory_space<semaphore_mem>>, %arg37: memref<!tpu.dma_semaphore, #tpu.memory_space<semaphore_mem>>, %arg38: memref<!tpu.dma_semaphore, #tpu.memory_space<semaphore_mem>>, %arg39: memref<!tpu.dma_semaphore, #tpu.memory_space<semaphore_mem>>, %arg40: memref<!tpu.dma_semaphore, #tpu.memory_space<semaphore_mem>>, %arg41: memref<!tpu.dma_semaphore, #tpu.memory_space<semaphore_mem>>, %arg42: memref<!tpu.dma_semaphore, #tpu.memory_space<semaphore_mem>>) attributes {dimension_semantics = [#tpu.dimension_semantics<core_parallel>, #tpu.dimension_semantics<subcore_parallel>], iteration_bounds = array<i64: 2, 16>, scalar_prefetch = 0 : i64, scratch_operands = 33 : i64, tpu.core_type = #tpu.core_type<sc_vector_subcore>, window_params = [{transform_indices = #map}, {transform_indices = #map}, {transform_indices = #map}, {transform_indices = #map1}, {transform_indices = #map1}, {transform_indices = #map}, {transform_indices = #map}, {transform_indices = #map}]} {
    %mul3A = arith.constant 2 : i32
    %mul3A_0 = arith.muli %arg1, %mul3A : i32
    %add3A = arith.addi %mul3A_0, %arg0 : i32
    %mul3A_1 = arith.constant 6400 : i32
    %mul3A_2 = arith.muli %add3A, %mul3A_1 : i32
    %eq3A = arith.constant 0 : i32
    %eq3A_3 = arith.cmpi eq, %arg1, %eq3A : i32
    %convert_element_type3A = arith.extui %eq3A_3 : i1 to i32
    %cond3A = arith.constant 0 : i32
    %cond3A_4 = arith.cmpi ne, %convert_element_type3A, %cond3A : i32
    scf.if %cond3A_4 {
      "tpu.region"() ({
        %run_scoped3A = tpu.sem_alloc : memref<!tpu.dma_semaphore, #tpu.memory_space<semaphore_mem>>
        tpu.enqueue_dma source(%arg6 : memref<512x128xf32, #tpu.memory_space<hbm>>) target(%arg26 : memref<512x128xf32, #tpu.memory_space<vmem_shared>>) target_semaphore(%run_scoped3A : memref<!tpu.dma_semaphore, #tpu.memory_space<semaphore_mem>>)
        tpu.wait_dma2 semaphore(%run_scoped3A : memref<!tpu.dma_semaphore, #tpu.memory_space<semaphore_mem>>) src(%arg6 : memref<512x128xf32, #tpu.memory_space<hbm>>) dst(%arg26 : memref<512x128xf32, #tpu.memory_space<vmem_shared>>)
        tpu.yield
      }) : () -> ()
    } else {
    }
    "tpu.region"() ({
      %run_scoped3A = tpu.sem_alloc : memref<!tpu.dma_semaphore, #tpu.memory_space<semaphore_mem>>
      %dma_start3A_87 = tpu.memref_slice %arg2[%mul3A_2] : memref<204800xi32, #tpu.memory_space<hbm>> -> memref<6400xi32, #tpu.memory_space<hbm>>
      %dma_start3A_88 = tpu.memref_slice %arg2[%mul3A_2] : memref<204800xi32, #tpu.memory_space<hbm>> -> memref<6400xi32, #tpu.memory_space<hbm>>
      tpu.enqueue_dma source(%dma_start3A_88 : memref<6400xi32, #tpu.memory_space<hbm>>) target(%arg10 : memref<6400xi32, #tpu.memory_space<vmem>>) target_semaphore(%run_scoped3A : memref<!tpu.dma_semaphore, #tpu.memory_space<semaphore_mem>>)
      %dma_wait3A_89 = tpu.memref_slice %arg2[%mul3A_2] : memref<204800xi32, #tpu.memory_space<hbm>> -> memref<6400xi32, #tpu.memory_space<hbm>>
      %dma_wait3A_90 = tpu.memref_slice %arg2[%mul3A_2] : memref<204800xi32, #tpu.memory_space<hbm>> -> memref<6400xi32, #tpu.memory_space<hbm>>
      tpu.wait_dma2 semaphore(%run_scoped3A : memref<!tpu.dma_semaphore, #tpu.memory_space<semaphore_mem>>) src(%dma_wait3A_90 : memref<6400xi32, #tpu.memory_space<hbm>>) dst(%arg10 : memref<6400xi32, #tpu.memory_space<vmem>>)
      tpu.yield
    }) : () -> ()
    "tpu.region"() ({
      %run_scoped3A = tpu.sem_alloc : memref<!tpu.dma_semaphore, #tpu.memory_space<semaphore_mem>>
      %dma_start3A_87 = tpu.memref_slice %arg3[%mul3A_2] : memref<204800xi32, #tpu.memory_space<hbm>> -> memref<6400xi32, #tpu.memory_space<hbm>>
      %dma_start3A_88 = tpu.memref_slice %arg3[%mul3A_2] : memref<204800xi32, #tpu.memory_space<hbm>> -> memref<6400xi32, #tpu.memory_space<hbm>>
      tpu.enqueue_dma source(%dma_start3A_88 : memref<6400xi32, #tpu.memory_space<hbm>>) target(%arg11 : memref<6400xi32, #tpu.memory_space<vmem>>) target_semaphore(%run_scoped3A : memref<!tpu.dma_semaphore, #tpu.memory_space<semaphore_mem>>)
      %dma_wait3A_89 = tpu.memref_slice %arg3[%mul3A_2] : memref<204800xi32, #tpu.memory_space<hbm>> -> memref<6400xi32, #tpu.memory_space<hbm>>
      %dma_wait3A_90 = tpu.memref_slice %arg3[%mul3A_2] : memref<204800xi32, #tpu.memory_space<hbm>> -> memref<6400xi32, #tpu.memory_space<hbm>>
      tpu.wait_dma2 semaphore(%run_scoped3A : memref<!tpu.dma_semaphore, #tpu.memory_space<semaphore_mem>>) src(%dma_wait3A_90 : memref<6400xi32, #tpu.memory_space<hbm>>) dst(%arg11 : memref<6400xi32, #tpu.memory_space<vmem>>)
      tpu.yield
    }) : () -> ()
    "tpu.region"() ({
      %run_scoped3A = tpu.sem_alloc : memref<!tpu.dma_semaphore, #tpu.memory_space<semaphore_mem>>
      tpu.enqueue_dma source(%arg7 : memref<128xf32, #tpu.memory_space<hbm>>) target(%arg24 : memref<128xf32, #tpu.memory_space<vmem>>) target_semaphore(%run_scoped3A : memref<!tpu.dma_semaphore, #tpu.memory_space<semaphore_mem>>)
      tpu.wait_dma2 semaphore(%run_scoped3A : memref<!tpu.dma_semaphore, #tpu.memory_space<semaphore_mem>>) src(%arg7 : memref<128xf32, #tpu.memory_space<hbm>>) dst(%arg24 : memref<128xf32, #tpu.memory_space<vmem>>)
      tpu.yield
    }) : () -> ()
    "tpu.region"() ({
      %run_scoped3A = tpu.sem_alloc : memref<!tpu.dma_semaphore, #tpu.memory_space<semaphore_mem>>
      tpu.enqueue_dma source(%arg8 : memref<128xf32, #tpu.memory_space<hbm>>) target(%arg25 : memref<128xf32, #tpu.memory_space<vmem>>) target_semaphore(%run_scoped3A : memref<!tpu.dma_semaphore, #tpu.memory_space<semaphore_mem>>)
      tpu.wait_dma2 semaphore(%run_scoped3A : memref<!tpu.dma_semaphore, #tpu.memory_space<semaphore_mem>>) src(%arg8 : memref<128xf32, #tpu.memory_space<hbm>>) dst(%arg25 : memref<128xf32, #tpu.memory_space<vmem>>)
      tpu.yield
    }) : () -> ()
    %barrier3A = arith.constant 0 : index
    tpu.barrier barrier_id(%barrier3A)
    %get3A = arith.constant 0 : index
    %get3A_5 = tpu.vector_load %arg24[%get3A] {strides = array<i32>} : memref<128xf32, #tpu.memory_space<vmem>>, vector<16xf32>,
    %get3A_6 = arith.constant 16 : index
    %get3A_7 = tpu.vector_load %arg24[%get3A_6] {strides = array<i32>} : memref<128xf32, #tpu.memory_space<vmem>>, vector<16xf32>,
    %get3A_8 = arith.constant 32 : index
    %get3A_9 = tpu.vector_load %arg24[%get3A_8] {strides = array<i32>} : memref<128xf32, #tpu.memory_space<vmem>>, vector<16xf32>,
    %get3A_10 = arith.constant 48 : index
    %get3A_11 = tpu.vector_load %arg24[%get3A_10] {strides = array<i32>} : memref<128xf32, #tpu.memory_space<vmem>>, vector<16xf32>,
    %get3A_12 = arith.constant 64 : index
    %get3A_13 = tpu.vector_load %arg24[%get3A_12] {strides = array<i32>} : memref<128xf32, #tpu.memory_space<vmem>>, vector<16xf32>,
    %get3A_14 = arith.constant 80 : index
    %get3A_15 = tpu.vector_load %arg24[%get3A_14] {strides = array<i32>} : memref<128xf32, #tpu.memory_space<vmem>>, vector<16xf32>,
    %get3A_16 = arith.constant 96 : index
    %get3A_17 = tpu.vector_load %arg24[%get3A_16] {strides = array<i32>} : memref<128xf32, #tpu.memory_space<vmem>>, vector<16xf32>,
    %get3A_18 = arith.constant 112 : index
    %get3A_19 = tpu.vector_load %arg24[%get3A_18] {strides = array<i32>} : memref<128xf32, #tpu.memory_space<vmem>>, vector<16xf32>,
    %get3A_20 = arith.constant 0 : index
    %get3A_21 = tpu.vector_load %arg25[%get3A_20] {strides = array<i32>} : memref<128xf32, #tpu.memory_space<vmem>>, vector<16xf32>,
    %get3A_22 = arith.constant 16 : index
    %get3A_23 = tpu.vector_load %arg25[%get3A_22] {strides = array<i32>} : memref<128xf32, #tpu.memory_space<vmem>>, vector<16xf32>,
    %get3A_24 = arith.constant 32 : index
    %get3A_25 = tpu.vector_load %arg25[%get3A_24] {strides = array<i32>} : memref<128xf32, #tpu.memory_space<vmem>>, vector<16xf32>,
    %get3A_26 = arith.constant 48 : index
    %get3A_27 = tpu.vector_load %arg25[%get3A_26] {strides = array<i32>} : memref<128xf32, #tpu.memory_space<vmem>>, vector<16xf32>,
    %get3A_28 = arith.constant 64 : index
    %get3A_29 = tpu.vector_load %arg25[%get3A_28] {strides = array<i32>} : memref<128xf32, #tpu.memory_space<vmem>>, vector<16xf32>,
    %get3A_30 = arith.constant 80 : index
    %get3A_31 = tpu.vector_load %arg25[%get3A_30] {strides = array<i32>} : memref<128xf32, #tpu.memory_space<vmem>>, vector<16xf32>,
    %get3A_32 = arith.constant 96 : index
    %get3A_33 = tpu.vector_load %arg25[%get3A_32] {strides = array<i32>} : memref<128xf32, #tpu.memory_space<vmem>>, vector<16xf32>,
    %get3A_34 = arith.constant 112 : index
    %get3A_35 = tpu.vector_load %arg25[%get3A_34] {strides = array<i32>} : memref<128xf32, #tpu.memory_space<vmem>>, vector<16xf32>,
    %dma_start3A = arith.constant 0 : i32
    %dma_start3A_36 = tpu.memref_slice %arg10[%dma_start3A] : memref<6400xi32, #tpu.memory_space<vmem>> -> memref<32xi32, #tpu.memory_space<vmem>>
    %dma_start3A_37 = arith.constant 0 : i32
    %dma_start3A_38 = arith.constant 0 : i32
    %dma_start3A_39 = tpu.memref_slice %arg5[%dma_start3A_37, %dma_start3A_38] : memref<100000x128xf32, #tpu.memory_space<hbm>> -> memref<100000x128xf32, #tpu.memory_space<hbm>>
    tpu.enqueue_indirect_dma source(%dma_start3A_39 : memref<100000x128xf32, #tpu.memory_space<hbm>>) target(%arg12 : memref<32x128xf32, #tpu.memory_space<vmem>>) offsets(%dma_start3A_36 : memref<32xi32, #tpu.memory_space<vmem>>) semaphore(%arg27 : memref<!tpu.dma_semaphore, #tpu.memory_space<semaphore_mem>>)
    %add3A_40 = arith.constant 0 : i32
    %add3A_41 = arith.addi %mul3A_2, %add3A_40 : i32
    %mul3A_42 = arith.constant 128 : i32
    %mul3A_43 = arith.muli %add3A_41, %mul3A_42 : i32
    %dma_start3A_44 = tpu.memref_slice %arg4[%mul3A_43] : memref<26214400xf32, #tpu.memory_space<hbm>> -> memref<4096xf32, #tpu.memory_space<hbm>>
    %dma_start3A_45 = tpu.memref_slice %arg4[%mul3A_43] : memref<26214400xf32, #tpu.memory_space<hbm>> -> memref<4096xf32, #tpu.memory_space<hbm>>
    tpu.enqueue_dma source(%dma_start3A_45 : memref<4096xf32, #tpu.memory_space<hbm>>) target(%arg16 : memref<4096xf32, #tpu.memory_space<vmem>>) target_semaphore(%arg35 : memref<!tpu.dma_semaphore, #tpu.memory_space<semaphore_mem>>)
    %dma_start3A_46 = arith.constant 32 : i32
    %dma_start3A_47 = tpu.memref_slice %arg10[%dma_start3A_46] : memref<6400xi32, #tpu.memory_space<vmem>> -> memref<32xi32, #tpu.memory_space<vmem>>
    %dma_start3A_48 = arith.constant 0 : i32
    %dma_start3A_49 = arith.constant 0 : i32
    %dma_start3A_50 = tpu.memref_slice %arg5[%dma_start3A_48, %dma_start3A_49] : memref<100000x128xf32, #tpu.memory_space<hbm>> -> memref<100000x128xf32, #tpu.memory_space<hbm>>
    tpu.enqueue_indirect_dma source(%dma_start3A_50 : memref<100000x128xf32, #tpu.memory_space<hbm>>) target(%arg13 : memref<32x128xf32, #tpu.memory_space<vmem>>) offsets(%dma_start3A_47 : memref<32xi32, #tpu.memory_space<vmem>>) semaphore(%arg28 : memref<!tpu.dma_semaphore, #tpu.memory_space<semaphore_mem>>)
    %add3A_51 = arith.constant 32 : i32
    %add3A_52 = arith.addi %mul3A_2, %add3A_51 : i32
    %mul3A_53 = arith.constant 128 : i32
    %mul3A_54 = arith.muli %add3A_52, %mul3A_53 : i32
    %dma_start3A_55 = tpu.memref_slice %arg4[%mul3A_54] : memref<26214400xf32, #tpu.memory_space<hbm>> -> memref<4096xf32, #tpu.memory_space<hbm>>
    %dma_start3A_56 = tpu.memref_slice %arg4[%mul3A_54] : memref<26214400xf32, #tpu.memory_space<hbm>> -> memref<4096xf32, #tpu.memory_space<hbm>>
    tpu.enqueue_dma source(%dma_start3A_56 : memref<4096xf32, #tpu.memory_space<hbm>>) target(%arg17 : memref<4096xf32, #tpu.memory_space<vmem>>) target_semaphore(%arg36 : memref<!tpu.dma_semaphore, #tpu.memory_space<semaphore_mem>>)
    %dma_wait3A = arith.constant 0 : i32
    %dma_wait3A_57 = arith.constant 0 : i32
    %dma_wait3A_58 = tpu.memref_slice %arg5[%dma_wait3A, %dma_wait3A_57] : memref<100000x128xf32, #tpu.memory_space<hbm>> -> memref<32x128xf32, #tpu.memory_space<hbm>>
    %dma_wait3A_59 = arith.constant 0 : i32
    %dma_wait3A_60 = arith.constant 0 : i32
    %dma_wait3A_61 = tpu.memref_slice %arg5[%dma_wait3A_59, %dma_wait3A_60] : memref<100000x128xf32, #tpu.memory_space<hbm>> -> memref<32x128xf32, #tpu.memory_space<hbm>>
    tpu.wait_dma2 semaphore(%arg27 : memref<!tpu.dma_semaphore, #tpu.memory_space<semaphore_mem>>) src(%dma_wait3A_61 : memref<32x128xf32, #tpu.memory_space<hbm>>) dst(%arg12 : memref<32x128xf32, #tpu.memory_space<vmem>>)
    %dma_start3A_62 = arith.constant 0 : i32
    %dma_start3A_63 = tpu.memref_slice %arg11[%dma_start3A_62] : memref<6400xi32, #tpu.memory_space<vmem>> -> memref<32xi32, #tpu.memory_space<vmem>>
    %dma_start3A_64 = arith.constant 0 : i32
    %dma_start3A_65 = arith.constant 0 : i32
    %dma_start3A_66 = tpu.memref_slice %arg26[%dma_start3A_64, %dma_start3A_65] : memref<512x128xf32, #tpu.memory_space<vmem_shared>> -> memref<512x128xf32, #tpu.memory_space<vmem_shared>>
    tpu.enqueue_indirect_dma source(%dma_start3A_66 : memref<512x128xf32, #tpu.memory_space<vmem_shared>>) target(%arg12 : memref<32x128xf32, #tpu.memory_space<vmem>>) offsets(%dma_start3A_63 : memref<32xi32, #tpu.memory_space<vmem>>) semaphore(%arg31 : memref<!tpu.dma_semaphore, #tpu.memory_space<semaphore_mem>>) {add = true}
    %scan3A = arith.constant 0 : i32
    %scan3A_67 = arith.constant 50 : i32
    %scan3A_68 = arith.addi %scan3A, %scan3A_67 : i32
    %scan3A_69 = arith.constant 1 : i32
    scf.for %scan3A_87 = %scan3A to %scan3A_68 step %scan3A_69  : i32 {
      %mul3A_88 = arith.constant 4 : i32
      %mul3A_89 = arith.muli %scan3A_87, %mul3A_88 : i32
      %add3A_90 = arith.constant 0 : i32
      %add3A_91 = arith.addi %add3A_90, %mul3A_89 : i32
      %add3A_92 = arith.constant 0 : i32
      %add3A_93 = arith.addi %add3A_91, %add3A_92 : i32
      %add3A_94 = arith.constant 2 : i32
      %add3A_95 = arith.addi %add3A_93, %add3A_94 : i32
      %lt3A = arith.constant 200 : i32
      %lt3A_96 = arith.cmpi slt, %add3A_95, %lt3A : i32
      %convert_element_type3A_97 = arith.extui %lt3A_96 : i1 to i32
      %cond3A_98 = arith.constant 0 : i32
      %cond3A_99 = arith.cmpi ne, %convert_element_type3A_97, %cond3A_98 : i32
      scf.if %cond3A_99 {
        %add3A_242 = arith.constant 2 : i32
        %add3A_243 = arith.addi %add3A_93, %add3A_242 : i32
        %mul3A_244 = arith.constant 32 : i32
        %mul3A_245 = arith.muli %add3A_243, %mul3A_244 : i32
        %dma_start3A_246 = tpu.memref_slice %arg10[%mul3A_245] : memref<6400xi32, #tpu.memory_space<vmem>> -> memref<32xi32, #tpu.memory_space<vmem>>
        %dma_start3A_247 = arith.constant 0 : i32
        %dma_start3A_248 = arith.constant 0 : i32
        %dma_start3A_249 = tpu.memref_slice %arg5[%dma_start3A_247, %dma_start3A_248] : memref<100000x128xf32, #tpu.memory_space<hbm>> -> memref<100000x128xf32, #tpu.memory_space<hbm>>
        tpu.enqueue_indirect_dma source(%dma_start3A_249 : memref<100000x128xf32, #tpu.memory_space<hbm>>) target(%arg14 : memref<32x128xf32, #tpu.memory_space<vmem>>) offsets(%dma_start3A_246 : memref<32xi32, #tpu.memory_space<vmem>>) semaphore(%arg29 : memref<!tpu.dma_semaphore, #tpu.memory_space<semaphore_mem>>)
        %add3A_250 = arith.addi %mul3A_2, %mul3A_245 : i32
        %mul3A_251 = arith.constant 128 : i32
        %mul3A_252 = arith.muli %add3A_250, %mul3A_251 : i32
        %dma_start3A_253 = tpu.memref_slice %arg4[%mul3A_252] : memref<26214400xf32, #tpu.memory_space<hbm>> -> memref<4096xf32, #tpu.memory_space<hbm>>
        %dma_start3A_254 = tpu.memref_slice %arg4[%mul3A_252] : memref<26214400xf32, #tpu.memory_space<hbm>> -> memref<4096xf32, #tpu.memory_space<hbm>>
        tpu.enqueue_dma source(%dma_start3A_254 : memref<4096xf32, #tpu.memory_space<hbm>>) target(%arg18 : memref<4096xf32, #tpu.memory_space<vmem>>) target_semaphore(%arg37 : memref<!tpu.dma_semaphore, #tpu.memory_space<semaphore_mem>>)
      } else {
      }
      %add3A_100 = arith.constant 1 : i32
      %add3A_101 = arith.addi %add3A_93, %add3A_100 : i32
      %lt3A_102 = arith.constant 200 : i32
      %lt3A_103 = arith.cmpi slt, %add3A_101, %lt3A_102 : i32
      %convert_element_type3A_104 = arith.extui %lt3A_103 : i1 to i32
      %cond3A_105 = arith.constant 0 : i32
      %cond3A_106 = arith.cmpi ne, %convert_element_type3A_104, %cond3A_105 : i32
      scf.if %cond3A_106 {
        %add3A_242 = arith.constant 1 : i32
        %add3A_243 = arith.addi %add3A_93, %add3A_242 : i32
        %mul3A_244 = arith.constant 32 : i32
        %mul3A_245 = arith.muli %add3A_243, %mul3A_244 : i32
        %dma_wait3A_246 = arith.constant 0 : i32
        %dma_wait3A_247 = arith.constant 0 : i32
        %dma_wait3A_248 = tpu.memref_slice %arg5[%dma_wait3A_246, %dma_wait3A_247] : memref<100000x128xf32, #tpu.memory_space<hbm>> -> memref<32x128xf32, #tpu.memory_space<hbm>>
        %dma_wait3A_249 = arith.constant 0 : i32
        %dma_wait3A_250 = arith.constant 0 : i32
        %dma_wait3A_251 = tpu.memref_slice %arg5[%dma_wait3A_249, %dma_wait3A_250] : memref<100000x128xf32, #tpu.memory_space<hbm>> -> memref<32x128xf32, #tpu.memory_space<hbm>>
        tpu.wait_dma2 semaphore(%arg28 : memref<!tpu.dma_semaphore, #tpu.memory_space<semaphore_mem>>) src(%dma_wait3A_251 : memref<32x128xf32, #tpu.memory_space<hbm>>) dst(%arg13 : memref<32x128xf32, #tpu.memory_space<vmem>>)
        %dma_start3A_252 = tpu.memref_slice %arg11[%mul3A_245] : memref<6400xi32, #tpu.memory_space<vmem>> -> memref<32xi32, #tpu.memory_space<vmem>>
        %dma_start3A_253 = arith.constant 0 : i32
        %dma_start3A_254 = arith.constant 0 : i32
        %dma_start3A_255 = tpu.memref_slice %arg26[%dma_start3A_253, %dma_start3A_254] : memref<512x128xf32, #tpu.memory_space<vmem_shared>> -> memref<512x128xf32, #tpu.memory_space<vmem_shared>>
        tpu.enqueue_indirect_dma source(%dma_start3A_255 : memref<512x128xf32, #tpu.memory_space<vmem_shared>>) target(%arg13 : memref<32x128xf32, #tpu.memory_space<vmem>>) offsets(%dma_start3A_252 : memref<32xi32, #tpu.memory_space<vmem>>) semaphore(%arg32 : memref<!tpu.dma_semaphore, #tpu.memory_space<semaphore_mem>>) {add = true}
      } else {
      }
      %ge3A = arith.constant 4 : i32
      %ge3A_107 = arith.cmpi sge, %add3A_93, %ge3A : i32
      %mul3A_108 = arith.constant 32 : i32
      %mul3A_109 = arith.muli %add3A_93, %mul3A_108 : i32
      %dma_wait3A_110 = arith.constant 0 : i32
      %dma_wait3A_111 = arith.constant 0 : i32
      %dma_wait3A_112 = tpu.memref_slice %arg26[%dma_wait3A_110, %dma_wait3A_111] : memref<512x128xf32, #tpu.memory_space<vmem_shared>> -> memref<32x128xf32, #tpu.memory_space<vmem_shared>>
      %dma_wait3A_113 = arith.constant 0 : i32
      %dma_wait3A_114 = arith.constant 0 : i32
      %dma_wait3A_115 = tpu.memref_slice %arg26[%dma_wait3A_113, %dma_wait3A_114] : memref<512x128xf32, #tpu.memory_space<vmem_shared>> -> memref<32x128xf32, #tpu.memory_space<vmem_shared>>
      tpu.wait_dma2 semaphore(%arg31 : memref<!tpu.dma_semaphore, #tpu.memory_space<semaphore_mem>>) src(%dma_wait3A_115 : memref<32x128xf32, #tpu.memory_space<vmem_shared>>) dst(%arg12 : memref<32x128xf32, #tpu.memory_space<vmem>>)
      %dma_wait3A_116 = arith.constant 0 : i32
      %dma_wait3A_117 = tpu.memref_slice %arg4[%dma_wait3A_116] : memref<26214400xf32, #tpu.memory_space<hbm>> -> memref<4096xf32, #tpu.memory_space<hbm>>
      %dma_wait3A_118 = arith.constant 0 : i32
      %dma_wait3A_119 = tpu.memref_slice %arg4[%dma_wait3A_118] : memref<26214400xf32, #tpu.memory_space<hbm>> -> memref<4096xf32, #tpu.memory_space<hbm>>
      tpu.wait_dma2 semaphore(%arg35 : memref<!tpu.dma_semaphore, #tpu.memory_space<semaphore_mem>>) src(%dma_wait3A_119 : memref<4096xf32, #tpu.memory_space<hbm>>) dst(%arg16 : memref<4096xf32, #tpu.memory_space<vmem>>)
      %convert_element_type3A_120 = arith.extui %ge3A_107 : i1 to i32
      %cond3A_121 = arith.constant 0 : i32
      %cond3A_122 = arith.cmpi ne, %convert_element_type3A_120, %cond3A_121 : i32
      scf.if %cond3A_122 {
        %dma_wait3A_242 = arith.constant 0 : i32
        %dma_wait3A_243 = tpu.memref_slice %arg9[%dma_wait3A_242] : memref<26214400xf32, #tpu.memory_space<hbm>> -> memref<4096xf32, #tpu.memory_space<hbm>>
        %dma_wait3A_244 = arith.constant 0 : i32
        %dma_wait3A_245 = tpu.memref_slice %arg9[%dma_wait3A_244] : memref<26214400xf32, #tpu.memory_space<hbm>> -> memref<4096xf32, #tpu.memory_space<hbm>>
        tpu.wait_dma2 semaphore(%arg39 : memref<!tpu.dma_semaphore, #tpu.memory_space<semaphore_mem>>) src(%arg20 : memref<4096xf32, #tpu.memory_space<vmem>>) dst(%dma_wait3A_245 : memref<4096xf32, #tpu.memory_space<hbm>>)
      } else {
      }
      %add3A_123 = arith.addi %mul3A_2, %mul3A_109 : i32
      %mul3A_124 = arith.constant 128 : i32
      %mul3A_125 = arith.muli %add3A_123, %mul3A_124 : i32
      %dma_start3A_126 = tpu.memref_slice %arg9[%mul3A_125] : memref<26214400xf32, #tpu.memory_space<hbm>> -> memref<4096xf32, #tpu.memory_space<hbm>>
      %dma_start3A_127 = tpu.memref_slice %arg9[%mul3A_125] : memref<26214400xf32, #tpu.memory_space<hbm>> -> memref<4096xf32, #tpu.memory_space<hbm>>
      tpu.enqueue_dma source(%arg20 : memref<4096xf32, #tpu.memory_space<vmem>>) target(%dma_start3A_127 : memref<4096xf32, #tpu.memory_space<hbm>>) target_semaphore(%arg39 : memref<!tpu.dma_semaphore, #tpu.memory_space<semaphore_mem>>)
      %add3A_128 = arith.constant 1 : i32
      %add3A_129 = arith.addi %add3A_91, %add3A_128 : i32
      %add3A_130 = arith.constant 2 : i32
      %add3A_131 = arith.addi %add3A_129, %add3A_130 : i32
      %lt3A_132 = arith.constant 200 : i32
      %lt3A_133 = arith.cmpi slt, %add3A_131, %lt3A_132 : i32
      %convert_element_type3A_134 = arith.extui %lt3A_133 : i1 to i32
      %cond3A_135 = arith.constant 0 : i32
      %cond3A_136 = arith.cmpi ne, %convert_element_type3A_134, %cond3A_135 : i32
      scf.if %cond3A_136 {
        %add3A_242 = arith.constant 2 : i32
        %add3A_243 = arith.addi %add3A_129, %add3A_242 : i32
        %mul3A_244 = arith.constant 32 : i32
        %mul3A_245 = arith.muli %add3A_243, %mul3A_244 : i32
        %dma_start3A_246 = tpu.memref_slice %arg10[%mul3A_245] : memref<6400xi32, #tpu.memory_space<vmem>> -> memref<32xi32, #tpu.memory_space<vmem>>
        %dma_start3A_247 = arith.constant 0 : i32
        %dma_start3A_248 = arith.constant 0 : i32
        %dma_start3A_249 = tpu.memref_slice %arg5[%dma_start3A_247, %dma_start3A_248] : memref<100000x128xf32, #tpu.memory_space<hbm>> -> memref<100000x128xf32, #tpu.memory_space<hbm>>
        tpu.enqueue_indirect_dma source(%dma_start3A_249 : memref<100000x128xf32, #tpu.memory_space<hbm>>) target(%arg15 : memref<32x128xf32, #tpu.memory_space<vmem>>) offsets(%dma_start3A_246 : memref<32xi32, #tpu.memory_space<vmem>>) semaphore(%arg30 : memref<!tpu.dma_semaphore, #tpu.memory_space<semaphore_mem>>)
        %add3A_250 = arith.addi %mul3A_2, %mul3A_245 : i32
        %mul3A_251 = arith.constant 128 : i32
        %mul3A_252 = arith.muli %add3A_250, %mul3A_251 : i32
        %dma_start3A_253 = tpu.memref_slice %arg4[%mul3A_252] : memref<26214400xf32, #tpu.memory_space<hbm>> -> memref<4096xf32, #tpu.memory_space<hbm>>
        %dma_start3A_254 = tpu.memref_slice %arg4[%mul3A_252] : memref<26214400xf32, #tpu.memory_space<hbm>> -> memref<4096xf32, #tpu.memory_space<hbm>>
        tpu.enqueue_dma source(%dma_start3A_254 : memref<4096xf32, #tpu.memory_space<hbm>>) target(%arg19 : memref<4096xf32, #tpu.memory_space<vmem>>) target_semaphore(%arg38 : memref<!tpu.dma_semaphore, #tpu.memory_space<semaphore_mem>>)
      } else {
      }
      %add3A_137 = arith.constant 1 : i32
      %add3A_138 = arith.addi %add3A_129, %add3A_137 : i32
      %lt3A_139 = arith.constant 200 : i32
      %lt3A_140 = arith.cmpi slt, %add3A_138, %lt3A_139 : i32
      %convert_element_type3A_141 = arith.extui %lt3A_140 : i1 to i32
      %cond3A_142 = arith.constant 0 : i32
      %cond3A_143 = arith.cmpi ne, %convert_element_type3A_141, %cond3A_142 : i32
      scf.if %cond3A_143 {
        %add3A_242 = arith.constant 1 : i32
        %add3A_243 = arith.addi %add3A_129, %add3A_242 : i32
        %mul3A_244 = arith.constant 32 : i32
        %mul3A_245 = arith.muli %add3A_243, %mul3A_244 : i32
        %dma_wait3A_246 = arith.constant 0 : i32
        %dma_wait3A_247 = arith.constant 0 : i32
        %dma_wait3A_248 = tpu.memref_slice %arg5[%dma_wait3A_246, %dma_wait3A_247] : memref<100000x128xf32, #tpu.memory_space<hbm>> -> memref<32x128xf32, #tpu.memory_space<hbm>>
        %dma_wait3A_249 = arith.constant 0 : i32
        %dma_wait3A_250 = arith.constant 0 : i32
        %dma_wait3A_251 = tpu.memref_slice %arg5[%dma_wait3A_249, %dma_wait3A_250] : memref<100000x128xf32, #tpu.memory_space<hbm>> -> memref<32x128xf32, #tpu.memory_space<hbm>>
        tpu.wait_dma2 semaphore(%arg29 : memref<!tpu.dma_semaphore, #tpu.memory_space<semaphore_mem>>) src(%dma_wait3A_251 : memref<32x128xf32, #tpu.memory_space<hbm>>) dst(%arg14 : memref<32x128xf32, #tpu.memory_space<vmem>>)
        %dma_start3A_252 = tpu.memref_slice %arg11[%mul3A_245] : memref<6400xi32, #tpu.memory_space<vmem>> -> memref<32xi32, #tpu.memory_space<vmem>>
        %dma_start3A_253 = arith.constant 0 : i32
        %dma_start3A_254 = arith.constant 0 : i32
        %dma_start3A_255 = tpu.memref_slice %arg26[%dma_start3A_253, %dma_start3A_254] : memref<512x128xf32, #tpu.memory_space<vmem_shared>> -> memref<512x128xf32, #tpu.memory_space<vmem_shared>>
        tpu.enqueue_indirect_dma source(%dma_start3A_255 : memref<512x128xf32, #tpu.memory_space<vmem_shared>>) target(%arg14 : memref<32x128xf32, #tpu.memory_space<vmem>>) offsets(%dma_start3A_252 : memref<32xi32, #tpu.memory_space<vmem>>) semaphore(%arg33 : memref<!tpu.dma_semaphore, #tpu.memory_space<semaphore_mem>>) {add = true}
      } else {
      }
      %ge3A_144 = arith.constant 4 : i32
      %ge3A_145 = arith.cmpi sge, %add3A_129, %ge3A_144 : i32
      %mul3A_146 = arith.constant 32 : i32
      %mul3A_147 = arith.muli %add3A_129, %mul3A_146 : i32
      %dma_wait3A_148 = arith.constant 0 : i32
      %dma_wait3A_149 = arith.constant 0 : i32
      %dma_wait3A_150 = tpu.memref_slice %arg26[%dma_wait3A_148, %dma_wait3A_149] : memref<512x128xf32, #tpu.memory_space<vmem_shared>> -> memref<32x128xf32, #tpu.memory_space<vmem_shared>>
      %dma_wait3A_151 = arith.constant 0 : i32
      %dma_wait3A_152 = arith.constant 0 : i32
      %dma_wait3A_153 = tpu.memref_slice %arg26[%dma_wait3A_151, %dma_wait3A_152] : memref<512x128xf32, #tpu.memory_space<vmem_shared>> -> memref<32x128xf32, #tpu.memory_space<vmem_shared>>
      tpu.wait_dma2 semaphore(%arg32 : memref<!tpu.dma_semaphore, #tpu.memory_space<semaphore_mem>>) src(%dma_wait3A_153 : memref<32x128xf32, #tpu.memory_space<vmem_shared>>) dst(%arg13 : memref<32x128xf32, #tpu.memory_space<vmem>>)
      %dma_wait3A_154 = arith.constant 0 : i32
      %dma_wait3A_155 = tpu.memref_slice %arg4[%dma_wait3A_154] : memref<26214400xf32, #tpu.memory_space<hbm>> -> memref<4096xf32, #tpu.memory_space<hbm>>
      %dma_wait3A_156 = arith.constant 0 : i32
      %dma_wait3A_157 = tpu.memref_slice %arg4[%dma_wait3A_156] : memref<26214400xf32, #tpu.memory_space<hbm>> -> memref<4096xf32, #tpu.memory_space<hbm>>
      tpu.wait_dma2 semaphore(%arg36 : memref<!tpu.dma_semaphore, #tpu.memory_space<semaphore_mem>>) src(%dma_wait3A_157 : memref<4096xf32, #tpu.memory_space<hbm>>) dst(%arg17 : memref<4096xf32, #tpu.memory_space<vmem>>)
      %convert_element_type3A_158 = arith.extui %ge3A_145 : i1 to i32
      %cond3A_159 = arith.constant 0 : i32
      %cond3A_160 = arith.cmpi ne, %convert_element_type3A_158, %cond3A_159 : i32
      scf.if %cond3A_160 {
        %dma_wait3A_242 = arith.constant 0 : i32
        %dma_wait3A_243 = tpu.memref_slice %arg9[%dma_wait3A_242] : memref<26214400xf32, #tpu.memory_space<hbm>> -> memref<4096xf32, #tpu.memory_space<hbm>>
        %dma_wait3A_244 = arith.constant 0 : i32
        %dma_wait3A_245 = tpu.memref_slice %arg9[%dma_wait3A_244] : memref<26214400xf32, #tpu.memory_space<hbm>> -> memref<4096xf32, #tpu.memory_space<hbm>>
        tpu.wait_dma2 semaphore(%arg40 : memref<!tpu.dma_semaphore, #tpu.memory_space<semaphore_mem>>) src(%arg21 : memref<4096xf32, #tpu.memory_space<vmem>>) dst(%dma_wait3A_245 : memref<4096xf32, #tpu.memory_space<hbm>>)
      } else {
      }
      %add3A_161 = arith.addi %mul3A_2, %mul3A_147 : i32
      %mul3A_162 = arith.constant 128 : i32
      %mul3A_163 = arith.muli %add3A_161, %mul3A_162 : i32
      %dma_start3A_164 = tpu.memref_slice %arg9[%mul3A_163] : memref<26214400xf32, #tpu.memory_space<hbm>> -> memref<4096xf32, #tpu.memory_space<hbm>>
      %dma_start3A_165 = tpu.memref_slice %arg9[%mul3A_163] : memref<26214400xf32, #tpu.memory_space<hbm>> -> memref<4096xf32, #tpu.memory_space<hbm>>
      tpu.enqueue_dma source(%arg21 : memref<4096xf32, #tpu.memory_space<vmem>>) target(%dma_start3A_165 : memref<4096xf32, #tpu.memory_space<hbm>>) target_semaphore(%arg40 : memref<!tpu.dma_semaphore, #tpu.memory_space<semaphore_mem>>)
      %add3A_166 = arith.constant 2 : i32
      %add3A_167 = arith.addi %add3A_91, %add3A_166 : i32
      %add3A_168 = arith.constant 2 : i32
      %add3A_169 = arith.addi %add3A_167, %add3A_168 : i32
      %lt3A_170 = arith.constant 200 : i32
      %lt3A_171 = arith.cmpi slt, %add3A_169, %lt3A_170 : i32
      %convert_element_type3A_172 = arith.extui %lt3A_171 : i1 to i32
      %cond3A_173 = arith.constant 0 : i32
      %cond3A_174 = arith.cmpi ne, %convert_element_type3A_172, %cond3A_173 : i32
      scf.if %cond3A_174 {
        %add3A_242 = arith.constant 2 : i32
        %add3A_243 = arith.addi %add3A_167, %add3A_242 : i32
        %mul3A_244 = arith.constant 32 : i32
        %mul3A_245 = arith.muli %add3A_243, %mul3A_244 : i32
        %dma_start3A_246 = tpu.memref_slice %arg10[%mul3A_245] : memref<6400xi32, #tpu.memory_space<vmem>> -> memref<32xi32, #tpu.memory_space<vmem>>
        %dma_start3A_247 = arith.constant 0 : i32
        %dma_start3A_248 = arith.constant 0 : i32
        %dma_start3A_249 = tpu.memref_slice %arg5[%dma_start3A_247, %dma_start3A_248] : memref<100000x128xf32, #tpu.memory_space<hbm>> -> memref<100000x128xf32, #tpu.memory_space<hbm>>
        tpu.enqueue_indirect_dma source(%dma_start3A_249 : memref<100000x128xf32, #tpu.memory_space<hbm>>) target(%arg12 : memref<32x128xf32, #tpu.memory_space<vmem>>) offsets(%dma_start3A_246 : memref<32xi32, #tpu.memory_space<vmem>>) semaphore(%arg27 : memref<!tpu.dma_semaphore, #tpu.memory_space<semaphore_mem>>)
        %add3A_250 = arith.addi %mul3A_2, %mul3A_245 : i32
        %mul3A_251 = arith.constant 128 : i32
        %mul3A_252 = arith.muli %add3A_250, %mul3A_251 : i32
        %dma_start3A_253 = tpu.memref_slice %arg4[%mul3A_252] : memref<26214400xf32, #tpu.memory_space<hbm>> -> memref<4096xf32, #tpu.memory_space<hbm>>
        %dma_start3A_254 = tpu.memref_slice %arg4[%mul3A_252] : memref<26214400xf32, #tpu.memory_space<hbm>> -> memref<4096xf32, #tpu.memory_space<hbm>>
        tpu.enqueue_dma source(%dma_start3A_254 : memref<4096xf32, #tpu.memory_space<hbm>>) target(%arg16 : memref<4096xf32, #tpu.memory_space<vmem>>) target_semaphore(%arg35 : memref<!tpu.dma_semaphore, #tpu.memory_space<semaphore_mem>>)
      } else {
      }
      %add3A_175 = arith.constant 1 : i32
      %add3A_176 = arith.addi %add3A_167, %add3A_175 : i32
      %lt3A_177 = arith.constant 200 : i32
      %lt3A_178 = arith.cmpi slt, %add3A_176, %lt3A_177 : i32
      %convert_element_type3A_179 = arith.extui %lt3A_178 : i1 to i32
      %cond3A_180 = arith.constant 0 : i32
      %cond3A_181 = arith.cmpi ne, %convert_element_type3A_179, %cond3A_180 : i32
      scf.if %cond3A_181 {
        %add3A_242 = arith.constant 1 : i32
        %add3A_243 = arith.addi %add3A_167, %add3A_242 : i32
        %mul3A_244 = arith.constant 32 : i32
        %mul3A_245 = arith.muli %add3A_243, %mul3A_244 : i32
        %dma_wait3A_246 = arith.constant 0 : i32
        %dma_wait3A_247 = arith.constant 0 : i32
        %dma_wait3A_248 = tpu.memref_slice %arg5[%dma_wait3A_246, %dma_wait3A_247] : memref<100000x128xf32, #tpu.memory_space<hbm>> -> memref<32x128xf32, #tpu.memory_space<hbm>>
        %dma_wait3A_249 = arith.constant 0 : i32
        %dma_wait3A_250 = arith.constant 0 : i32
        %dma_wait3A_251 = tpu.memref_slice %arg5[%dma_wait3A_249, %dma_wait3A_250] : memref<100000x128xf32, #tpu.memory_space<hbm>> -> memref<32x128xf32, #tpu.memory_space<hbm>>
        tpu.wait_dma2 semaphore(%arg30 : memref<!tpu.dma_semaphore, #tpu.memory_space<semaphore_mem>>) src(%dma_wait3A_251 : memref<32x128xf32, #tpu.memory_space<hbm>>) dst(%arg15 : memref<32x128xf32, #tpu.memory_space<vmem>>)
        %dma_start3A_252 = tpu.memref_slice %arg11[%mul3A_245] : memref<6400xi32, #tpu.memory_space<vmem>> -> memref<32xi32, #tpu.memory_space<vmem>>
        %dma_start3A_253 = arith.constant 0 : i32
        %dma_start3A_254 = arith.constant 0 : i32
        %dma_start3A_255 = tpu.memref_slice %arg26[%dma_start3A_253, %dma_start3A_254] : memref<512x128xf32, #tpu.memory_space<vmem_shared>> -> memref<512x128xf32, #tpu.memory_space<vmem_shared>>
        tpu.enqueue_indirect_dma source(%dma_start3A_255 : memref<512x128xf32, #tpu.memory_space<vmem_shared>>) target(%arg15 : memref<32x128xf32, #tpu.memory_space<vmem>>) offsets(%dma_start3A_252 : memref<32xi32, #tpu.memory_space<vmem>>) semaphore(%arg34 : memref<!tpu.dma_semaphore, #tpu.memory_space<semaphore_mem>>) {add = true}
      } else {
      }
      %ge3A_182 = arith.constant 4 : i32
      %ge3A_183 = arith.cmpi sge, %add3A_167, %ge3A_182 : i32
      %mul3A_184 = arith.constant 32 : i32
      %mul3A_185 = arith.muli %add3A_167, %mul3A_184 : i32
      %dma_wait3A_186 = arith.constant 0 : i32
      %dma_wait3A_187 = arith.constant 0 : i32
      %dma_wait3A_188 = tpu.memref_slice %arg26[%dma_wait3A_186, %dma_wait3A_187] : memref<512x128xf32, #tpu.memory_space<vmem_shared>> -> memref<32x128xf32, #tpu.memory_space<vmem_shared>>
      %dma_wait3A_189 = arith.constant 0 : i32
      %dma_wait3A_190 = arith.constant 0 : i32
      %dma_wait3A_191 = tpu.memref_slice %arg26[%dma_wait3A_189, %dma_wait3A_190] : memref<512x128xf32, #tpu.memory_space<vmem_shared>> -> memref<32x128xf32, #tpu.memory_space<vmem_shared>>
      tpu.wait_dma2 semaphore(%arg33 : memref<!tpu.dma_semaphore, #tpu.memory_space<semaphore_mem>>) src(%dma_wait3A_191 : memref<32x128xf32, #tpu.memory_space<vmem_shared>>) dst(%arg14 : memref<32x128xf32, #tpu.memory_space<vmem>>)
      %dma_wait3A_192 = arith.constant 0 : i32
      %dma_wait3A_193 = tpu.memref_slice %arg4[%dma_wait3A_192] : memref<26214400xf32, #tpu.memory_space<hbm>> -> memref<4096xf32, #tpu.memory_space<hbm>>
      %dma_wait3A_194 = arith.constant 0 : i32
      %dma_wait3A_195 = tpu.memref_slice %arg4[%dma_wait3A_194] : memref<26214400xf32, #tpu.memory_space<hbm>> -> memref<4096xf32, #tpu.memory_space<hbm>>
      tpu.wait_dma2 semaphore(%arg37 : memref<!tpu.dma_semaphore, #tpu.memory_space<semaphore_mem>>) src(%dma_wait3A_195 : memref<4096xf32, #tpu.memory_space<hbm>>) dst(%arg18 : memref<4096xf32, #tpu.memory_space<vmem>>)
      %convert_element_type3A_196 = arith.extui %ge3A_183 : i1 to i32
      %cond3A_197 = arith.constant 0 : i32
      %cond3A_198 = arith.cmpi ne, %convert_element_type3A_196, %cond3A_197 : i32
      scf.if %cond3A_198 {
        %dma_wait3A_242 = arith.constant 0 : i32
        %dma_wait3A_243 = tpu.memref_slice %arg9[%dma_wait3A_242] : memref<26214400xf32, #tpu.memory_space<hbm>> -> memref<4096xf32, #tpu.memory_space<hbm>>
        %dma_wait3A_244 = arith.constant 0 : i32
        %dma_wait3A_245 = tpu.memref_slice %arg9[%dma_wait3A_244] : memref<26214400xf32, #tpu.memory_space<hbm>> -> memref<4096xf32, #tpu.memory_space<hbm>>
        tpu.wait_dma2 semaphore(%arg41 : memref<!tpu.dma_semaphore, #tpu.memory_space<semaphore_mem>>) src(%arg22 : memref<4096xf32, #tpu.memory_space<vmem>>) dst(%dma_wait3A_245 : memref<4096xf32, #tpu.memory_space<hbm>>)
      } else {
      }
      %add3A_199 = arith.addi %mul3A_2, %mul3A_185 : i32
      %mul3A_200 = arith.constant 128 : i32
      %mul3A_201 = arith.muli %add3A_199, %mul3A_200 : i32
      %dma_start3A_202 = tpu.memref_slice %arg9[%mul3A_201] : memref<26214400xf32, #tpu.memory_space<hbm>> -> memref<4096xf32, #tpu.memory_space<hbm>>
      %dma_start3A_203 = tpu.memref_slice %arg9[%mul3A_201] : memref<26214400xf32, #tpu.memory_space<hbm>> -> memref<4096xf32, #tpu.memory_space<hbm>>
      tpu.enqueue_dma source(%arg22 : memref<4096xf32, #tpu.memory_space<vmem>>) target(%dma_start3A_203 : memref<4096xf32, #tpu.memory_space<hbm>>) target_semaphore(%arg41 : memref<!tpu.dma_semaphore, #tpu.memory_space<semaphore_mem>>)
      %add3A_204 = arith.constant 3 : i32
      %add3A_205 = arith.addi %add3A_91, %add3A_204 : i32
      %add3A_206 = arith.constant 2 : i32
      %add3A_207 = arith.addi %add3A_205, %add3A_206 : i32
      %lt3A_208 = arith.constant 200 : i32
      %lt3A_209 = arith.cmpi slt, %add3A_207, %lt3A_208 : i32
      %convert_element_type3A_210 = arith.extui %lt3A_209 : i1 to i32
      %cond3A_211 = arith.constant 0 : i32
      %cond3A_212 = arith.cmpi ne, %convert_element_type3A_210, %cond3A_211 : i32
      scf.if %cond3A_212 {
        %add3A_242 = arith.constant 2 : i32
        %add3A_243 = arith.addi %add3A_205, %add3A_242 : i32
        %mul3A_244 = arith.constant 32 : i32
        %mul3A_245 = arith.muli %add3A_243, %mul3A_244 : i32
        %dma_start3A_246 = tpu.memref_slice %arg10[%mul3A_245] : memref<6400xi32, #tpu.memory_space<vmem>> -> memref<32xi32, #tpu.memory_space<vmem>>
        %dma_start3A_247 = arith.constant 0 : i32
        %dma_start3A_248 = arith.constant 0 : i32
        %dma_start3A_249 = tpu.memref_slice %arg5[%dma_start3A_247, %dma_start3A_248] : memref<100000x128xf32, #tpu.memory_space<hbm>> -> memref<100000x128xf32, #tpu.memory_space<hbm>>
        tpu.enqueue_indirect_dma source(%dma_start3A_249 : memref<100000x128xf32, #tpu.memory_space<hbm>>) target(%arg13 : memref<32x128xf32, #tpu.memory_space<vmem>>) offsets(%dma_start3A_246 : memref<32xi32, #tpu.memory_space<vmem>>) semaphore(%arg28 : memref<!tpu.dma_semaphore, #tpu.memory_space<semaphore_mem>>)
        %add3A_250 = arith.addi %mul3A_2, %mul3A_245 : i32
        %mul3A_251 = arith.constant 128 : i32
        %mul3A_252 = arith.muli %add3A_250, %mul3A_251 : i32
        %dma_start3A_253 = tpu.memref_slice %arg4[%mul3A_252] : memref<26214400xf32, #tpu.memory_space<hbm>> -> memref<4096xf32, #tpu.memory_space<hbm>>
        %dma_start3A_254 = tpu.memref_slice %arg4[%mul3A_252] : memref<26214400xf32, #tpu.memory_space<hbm>> -> memref<4096xf32, #tpu.memory_space<hbm>>
        tpu.enqueue_dma source(%dma_start3A_254 : memref<4096xf32, #tpu.memory_space<hbm>>) target(%arg17 : memref<4096xf32, #tpu.memory_space<vmem>>) target_semaphore(%arg36 : memref<!tpu.dma_semaphore, #tpu.memory_space<semaphore_mem>>)
      } else {
      }
      %add3A_213 = arith.constant 1 : i32
      %add3A_214 = arith.addi %add3A_205, %add3A_213 : i32
      %lt3A_215 = arith.constant 200 : i32
      %lt3A_216 = arith.cmpi slt, %add3A_214, %lt3A_215 : i32
      %convert_element_type3A_217 = arith.extui %lt3A_216 : i1 to i32
      %cond3A_218 = arith.constant 0 : i32
      %cond3A_219 = arith.cmpi ne, %convert_element_type3A_217, %cond3A_218 : i32
      scf.if %cond3A_219 {
        %add3A_242 = arith.constant 1 : i32
        %add3A_243 = arith.addi %add3A_205, %add3A_242 : i32
        %mul3A_244 = arith.constant 32 : i32
        %mul3A_245 = arith.muli %add3A_243, %mul3A_244 : i32
        %dma_wait3A_246 = arith.constant 0 : i32
        %dma_wait3A_247 = arith.constant 0 : i32
        %dma_wait3A_248 = tpu.memref_slice %arg5[%dma_wait3A_246, %dma_wait3A_247] : memref<100000x128xf32, #tpu.memory_space<hbm>> -> memref<32x128xf32, #tpu.memory_space<hbm>>
        %dma_wait3A_249 = arith.constant 0 : i32
        %dma_wait3A_250 = arith.constant 0 : i32
        %dma_wait3A_251 = tpu.memref_slice %arg5[%dma_wait3A_249, %dma_wait3A_250] : memref<100000x128xf32, #tpu.memory_space<hbm>> -> memref<32x128xf32, #tpu.memory_space<hbm>>
        tpu.wait_dma2 semaphore(%arg27 : memref<!tpu.dma_semaphore, #tpu.memory_space<semaphore_mem>>) src(%dma_wait3A_251 : memref<32x128xf32, #tpu.memory_space<hbm>>) dst(%arg12 : memref<32x128xf32, #tpu.memory_space<vmem>>)
        %dma_start3A_252 = tpu.memref_slice %arg11[%mul3A_245] : memref<6400xi32, #tpu.memory_space<vmem>> -> memref<32xi32, #tpu.memory_space<vmem>>
        %dma_start3A_253 = arith.constant 0 : i32
        %dma_start3A_254 = arith.constant 0 : i32
        %dma_start3A_255 = tpu.memref_slice %arg26[%dma_start3A_253, %dma_start3A_254] : memref<512x128xf32, #tpu.memory_space<vmem_shared>> -> memref<512x128xf32, #tpu.memory_space<vmem_shared>>
        tpu.enqueue_indirect_dma source(%dma_start3A_255 : memref<512x128xf32, #tpu.memory_space<vmem_shared>>) target(%arg12 : memref<32x128xf32, #tpu.memory_space<vmem>>) offsets(%dma_start3A_252 : memref<32xi32, #tpu.memory_space<vmem>>) semaphore(%arg31 : memref<!tpu.dma_semaphore, #tpu.memory_space<semaphore_mem>>) {add = true}
      } else {
      }
      %ge3A_220 = arith.constant 4 : i32
      %ge3A_221 = arith.cmpi sge, %add3A_205, %ge3A_220 : i32
      %mul3A_222 = arith.constant 32 : i32
      %mul3A_223 = arith.muli %add3A_205, %mul3A_222 : i32
      %dma_wait3A_224 = arith.constant 0 : i32
      %dma_wait3A_225 = arith.constant 0 : i32
      %dma_wait3A_226 = tpu.memref_slice %arg26[%dma_wait3A_224, %dma_wait3A_225] : memref<512x128xf32, #tpu.memory_space<vmem_shared>> -> memref<32x128xf32, #tpu.memory_space<vmem_shared>>
      %dma_wait3A_227 = arith.constant 0 : i32
      %dma_wait3A_228 = arith.constant 0 : i32
      %dma_wait3A_229 = tpu.memref_slice %arg26[%dma_wait3A_227, %dma_wait3A_228] : memref<512x128xf32, #tpu.memory_space<vmem_shared>> -> memref<32x128xf32, #tpu.memory_space<vmem_shared>>
      tpu.wait_dma2 semaphore(%arg34 : memref<!tpu.dma_semaphore, #tpu.memory_space<semaphore_mem>>) src(%dma_wait3A_229 : memref<32x128xf32, #tpu.memory_space<vmem_shared>>) dst(%arg15 : memref<32x128xf32, #tpu.memory_space<vmem>>)
      %dma_wait3A_230 = arith.constant 0 : i32
      %dma_wait3A_231 = tpu.memref_slice %arg4[%dma_wait3A_230] : memref<26214400xf32, #tpu.memory_space<hbm>> -> memref<4096xf32, #tpu.memory_space<hbm>>
      %dma_wait3A_232 = arith.constant 0 : i32
      %dma_wait3A_233 = tpu.memref_slice %arg4[%dma_wait3A_232] : memref<26214400xf32, #tpu.memory_space<hbm>> -> memref<4096xf32, #tpu.memory_space<hbm>>
      tpu.wait_dma2 semaphore(%arg38 : memref<!tpu.dma_semaphore, #tpu.memory_space<semaphore_mem>>) src(%dma_wait3A_233 : memref<4096xf32, #tpu.memory_space<hbm>>) dst(%arg19 : memref<4096xf32, #tpu.memory_space<vmem>>)
      %convert_element_type3A_234 = arith.extui %ge3A_221 : i1 to i32
      %cond3A_235 = arith.constant 0 : i32
      %cond3A_236 = arith.cmpi ne, %convert_element_type3A_234, %cond3A_235 : i32
      scf.if %cond3A_236 {
        %dma_wait3A_242 = arith.constant 0 : i32
        %dma_wait3A_243 = tpu.memref_slice %arg9[%dma_wait3A_242] : memref<26214400xf32, #tpu.memory_space<hbm>> -> memref<4096xf32, #tpu.memory_space<hbm>>
        %dma_wait3A_244 = arith.constant 0 : i32
        %dma_wait3A_245 = tpu.memref_slice %arg9[%dma_wait3A_244] : memref<26214400xf32, #tpu.memory_space<hbm>> -> memref<4096xf32, #tpu.memory_space<hbm>>
        tpu.wait_dma2 semaphore(%arg42 : memref<!tpu.dma_semaphore, #tpu.memory_space<semaphore_mem>>) src(%arg23 : memref<4096xf32, #tpu.memory_space<vmem>>) dst(%dma_wait3A_245 : memref<4096xf32, #tpu.memory_space<hbm>>)
      } else {
      }
      %add3A_237 = arith.addi %mul3A_2, %mul3A_223 : i32
      %mul3A_238 = arith.constant 128 : i32
      %mul3A_239 = arith.muli %add3A_237, %mul3A_238 : i32
      %dma_start3A_240 = tpu.memref_slice %arg9[%mul3A_239] : memref<26214400xf32, #tpu.memory_space<hbm>> -> memref<4096xf32, #tpu.memory_space<hbm>>
      %dma_start3A_241 = tpu.memref_slice %arg9[%mul3A_239] : memref<26214400xf32, #tpu.memory_space<hbm>> -> memref<4096xf32, #tpu.memory_space<hbm>>
      tpu.enqueue_dma source(%arg23 : memref<4096xf32, #tpu.memory_space<vmem>>) target(%dma_start3A_241 : memref<4096xf32, #tpu.memory_space<hbm>>) target_semaphore(%arg42 : memref<!tpu.dma_semaphore, #tpu.memory_space<semaphore_mem>>)
    }
    %scan3A_70 = arith.constant 50 : i32
    %dma_wait3A_71 = arith.constant 0 : i32
    %dma_wait3A_72 = tpu.memref_slice %arg9[%dma_wait3A_71] : memref<26214400xf32, #tpu.memory_space<hbm>> -> memref<4096xf32, #tpu.memory_space<hbm>>
    %dma_wait3A_73 = arith.constant 0 : i32
    %dma_wait3A_74 = tpu.memref_slice %arg9[%dma_wait3A_73] : memref<26214400xf32, #tpu.memory_space<hbm>> -> memref<4096xf32, #tpu.memory_space<hbm>>
    tpu.wait_dma2 semaphore(%arg39 : memref<!tpu.dma_semaphore, #tpu.memory_space<semaphore_mem>>) src(%arg20 : memref<4096xf32, #tpu.memory_space<vmem>>) dst(%dma_wait3A_74 : memref<4096xf32, #tpu.memory_space<hbm>>)
    %dma_wait3A_75 = arith.constant 0 : i32
    %dma_wait3A_76 = tpu.memref_slice %arg9[%dma_wait3A_75] : memref<26214400xf32, #tpu.memory_space<hbm>> -> memref<4096xf32, #tpu.memory_space<hbm>>
    %dma_wait3A_77 = arith.constant 0 : i32
    %dma_wait3A_78 = tpu.memref_slice %arg9[%dma_wait3A_77] : memref<26214400xf32, #tpu.memory_space<hbm>> -> memref<4096xf32, #tpu.memory_space<hbm>>
    tpu.wait_dma2 semaphore(%arg40 : memref<!tpu.dma_semaphore, #tpu.memory_space<semaphore_mem>>) src(%arg21 : memref<4096xf32, #tpu.memory_space<vmem>>) dst(%dma_wait3A_78 : memref<4096xf32, #tpu.memory_space<hbm>>)
    %dma_wait3A_79 = arith.constant 0 : i32
    %dma_wait3A_80 = tpu.memref_slice %arg9[%dma_wait3A_79] : memref<26214400xf32, #tpu.memory_space<hbm>> -> memref<4096xf32, #tpu.memory_space<hbm>>
    %dma_wait3A_81 = arith.constant 0 : i32
    %dma_wait3A_82 = tpu.memref_slice %arg9[%dma_wait3A_81] : memref<26214400xf32, #tpu.memory_space<hbm>> -> memref<4096xf32, #tpu.memory_space<hbm>>
    tpu.wait_dma2 semaphore(%arg41 : memref<!tpu.dma_semaphore, #tpu.memory_space<semaphore_mem>>) src(%arg22 : memref<4096xf32, #tpu.memory_space<vmem>>) dst(%dma_wait3A_82 : memref<4096xf32, #tpu.memory_space<hbm>>)
    %dma_wait3A_83 = arith.constant 0 : i32
    %dma_wait3A_84 = tpu.memref_slice %arg9[%dma_wait3A_83] : memref<26214400xf32, #tpu.memory_space<hbm>> -> memref<4096xf32, #tpu.memory_space<hbm>>
    %dma_wait3A_85 = arith.constant 0 : i32
    %dma_wait3A_86 = tpu.memref_slice %arg9[%dma_wait3A_85] : memref<26214400xf32, #tpu.memory_space<hbm>> -> memref<4096xf32, #tpu.memory_space<hbm>>
    tpu.wait_dma2 semaphore(%arg42 : memref<!tpu.dma_semaphore, #tpu.memory_space<semaphore_mem>>) src(%arg23 : memref<4096xf32, #tpu.memory_space<vmem>>) dst(%dma_wait3A_86 : memref<4096xf32, #tpu.memory_space<hbm>>)
    return
  }
}

</mosaic_0001>

<sc_bundles>
// kernel: kernel.3.cloned.1.call-start
scs
__scs_entry_jumppad:
0x0: {  	(pc) =	sbr.rel $0x88, $3  }
0x1: {  	(tag) =	ssettag $0x0;
	lr =	simm.s32 $0x1  }
0x2: {  	[smem:$0x3F9A] =	sst lr;
	_ =	strace $0xD0000000  }
0x3: {  	_ = 	snop  }
0x4: {  	_ = 	snop  }
0x5: {  	_ = 	snop  }
0x6: {  	_ = 	snop  }
0x7: {  	_ = 	snop  }
__scs_overlays_trampoline_lowered:
0x8: {  	[smem:$0x3FA9] =	sst s0  }
0x9: {  	[smem:$0x3FAA] =	sst s1  }
0xa: {  	[smem:$0x3FAB] =	sst s2  }
0xb: {  	[smem:$0x3FAC] =	sst s3  }
0xc: {  	[smem:$0x3FAD] =	sst s4  }
0xd: {  	[smem:$0x3FAE] =	sst s5  }
0xe: {  	[smem:$0x3FAF] =	sst s6  }
0xf: {  	[smem:$0x3FB0] =	sst s7  }
0x10: {  	[smem:$0x3FB1] =	sst s8  }
0x11: {  	[smem:$0x3FB2] =	sst s9;
	s0 =	simm.s32 @!p0 $0x0  }
0x12: {  	s1 =	sld [smem:$0x3F98];
	s0 =	simm.s32 @p0 $0x1  }
0x13: {  	[smem:$0x3FB3] =	sst s0;
	s0 =	simm.s32 @!p1 $0x0  }
0x14: {  	s2 =	sld [smem:$0x3F97];
	s0 =	simm.s32 @p1 $0x1  }
0x15: {  	[smem:$0x3FB4] =	sst s0;
	s0 =	simm.s32 @!p2 $0x0  }
0x16: {  	s3 =	sld [smem:$0x3FDB];
	s0 =	simm.s32 @p2 $0x1  }
0x17: {  	s4 =	simm.s32 $0x1BF5;
	[smem:$0x3FB6] =	sst s0  }
0x18: {  	s0 =	sld [smem:$0x3F99];
	_ =	swait.ge [sflag:s4], $0x0  }
0x19: {  	s7 =	sld [smem:$0x3F9A]  }
0x1a: {  	s8 =	sadd.s32 $0xFFFFE003, lr  }
0x1b: {  	s9 =	sadd.s32 $0xFFFFFEF7, lr;
	s5 =	simm.s32 $0xFFFFFFFF;
	p2 =	slt.u32 s8, $0xFFFFF086  }
0x1c: {  	p1 =	slt.u32 s9, $0xF7A;
	s5 =	simm.s32 @!p2 $0x0  }
0x1d: {  	s5 =	simm.s32 @p1 $0x1;
	p0 =	seq.s32 s7, s2  }
0x1e: {  	s7 =	smul.u32 @!p0 $0xF7A, s2;
	p2 =	seq.s32 @!p0 s5, $0x0  }
0x1f: {  	s9 =	smul.u32 $0xF7A, s1;
	s8 =	simm.s32 @!p0 $0x1BF5;
	p2 =	por !p2, p0  }
0x20: {  	[sflag:s8] =	ssyncset.s32 @!p0 $0xFFFFF086;
	s6 =	sadd.s32 @!p0 s3, s7;
	s7 =	simm.s32 @!p0 $0x108  }
0x21: {  	s3 =	sadd.s32 s3, s9;
	s6 =	sadd.s32 @!p0 $0x88, s6;
	s7 =	simm.s32 @p2 $0x1082  }
0x22: {  	[simem:s7], [sflag:s8] =	dma.local @!p0 [hbm:s6], $0xF7A  }
0x23: {  	s9 =	sor.u32 $0xD0000000, s2;
	s6 =	simm.s32 $0x108;
	_ =	swait.ge @!p0 [sflag:s8], $0x0  }
0x24: {  	s3 =	sadd.s32 $0x88, s3;
	s6 =	simm.s32 @!p1 $0x1082;
	[sflag:s4] =	ssyncset.s32 $0xFFFFF086  }
0x25: {  	[simem:s6], [sflag:s4] =	dma.local [hbm:s3], $0xF7A  }
0x26: {  	[smem:$0x3F9A] =	sst s1;
	(tag) =	ssettag s2;
	_ =	strace s9  }
0x27: {  	s1 =	sld [smem:$0x3FAA]  }
0x28: {  	s2 =	sld [smem:$0x3FAB]  }
0x29: {  	s4 =	sld [smem:$0x3FAD]  }
0x2a: {  	p0 =	seq.s32 s5, $0x0;
	s5 =	sld [smem:$0x3FAE]  }
0x2b: {  	s6 =	sld [smem:$0x3FAF]  }
0x2c: {  	s7 =	sld [smem:$0x3FB0]  }
0x2d: {  	s3 =	simm.s32 $0x108;
	s8 =	sld [smem:$0x3FB1]  }
0x2e: {  	s3 =	simm.s32 @!p0 $0x1082;
	s9 =	sld [smem:$0x3FB2]  }
0x2f: {  	lr =	sadd.s32 s0, s3;
	s0 =	sld [smem:$0x3FA9]  }
0x30: {  	s3 =	sld [smem:$0x3FAC]  }
0x31: {  	[smem:$0x3FB5] =	sst s10  }
0x32: {  	s10 =	sld [smem:$0x3FB3];
	_ =	sdelay $0x3  }
0x33: {  	p0 =	seq.s32 s10, $0x1;
	s10 =	sld [smem:$0x3FB5];
	_ =	sdelay $0x3  }
0x34: {  	[smem:$0x3FB5] =	sst s10  }
0x35: {  	s10 =	sld [smem:$0x3FB4];
	_ =	sdelay $0x3  }
0x36: {  	p1 =	seq.s32 s10, $0x1;
	s10 =	sld [smem:$0x3FB5];
	_ =	sdelay $0x3  }
0x37: {  	[smem:$0x3FB5] =	sst s10  }
0x38: {  	s10 =	sld [smem:$0x3FB6]  }
0x39: {  	_ = 	snop;
	(pc) =	sbr.ind lr, $3  }
0x3a: {  	_ = 	snop  }
0x3b: {  	_ = 	snop  }
0x3c: {  	p2 =	seq.s32 s10, $0x1;
	s10 =	sld [smem:$0x3FB5]  }
0x3d: {  	_ =	shalt  }
0x3e: {  	_ =	shalt  }
0x3f: {  	_ =	shalt  }
0x40: {  	_ =	shalt  }
0x41: {  	_ =	shalt  }
0x42: {  	_ =	shalt  }
0x43: {  	_ =	shalt  }
0x44: {  	_ =	shalt  }
0x45: {  	_ =	shalt  }
0x46: {  	_ =	shalt  }
0x47: {  	_ =	shalt  }
0x48: {  	_ =	shalt  }
0x49: {  	_ =	shalt  }
0x4a: {  	_ =	shalt  }
0x4b: {  	_ =	shalt  }
0x4c: {  	_ =	shalt  }
0x4d: {  	_ =	shalt  }
0x4e: {  	_ =	shalt  }
0x4f: {  	_ =	shalt  }
0x50: {  	_ =	shalt  }
0x51: {  	_ =	shalt  }
0x52: {  	_ =	shalt  }
0x53: {  	_ =	shalt  }
0x54: {  	_ =	shalt  }
0x55: {  	_ =	shalt  }
0x56: {  	_ =	shalt  }
0x57: {  	_ =	shalt  }
0x58: {  	_ =	shalt  }
0x59: {  	_ =	shalt  }
0x5a: {  	_ =	shalt  }
0x5b: {  	_ =	shalt  }
0x5c: {  	_ =	shalt  }
0x5d: {  	_ =	shalt  }
0x5e: {  	_ =	shalt  }
0x5f: {  	_ =	shalt  }
0x60: {  	_ =	shalt  }
0x61: {  	_ =	shalt  }
0x62: {  	_ =	shalt  }
0x63: {  	_ =	shalt  }
0x64: {  	_ =	shalt  }
0x65: {  	_ =	shalt  }
0x66: {  	_ =	shalt  }
0x67: {  	_ =	shalt  }
0x68: {  	_ =	shalt  }
0x69: {  	_ =	shalt  }
0x6a: {  	_ =	shalt  }
0x6b: {  	_ =	shalt  }
0x6c: {  	_ =	shalt  }
0x6d: {  	_ =	shalt  }
0x6e: {  	_ =	shalt  }
0x6f: {  	_ =	shalt  }
0x70: {  	_ =	shalt  }
0x71: {  	_ =	shalt  }
0x72: {  	_ =	shalt  }
0x73: {  	_ =	shalt  }
0x74: {  	_ =	shalt  }
0x75: {  	_ =	shalt  }
0x76: {  	_ =	shalt  }
0x77: {  	_ =	shalt  }
0x78: {  	_ =	shalt  }
0x79: {  	_ =	shalt  }
0x7a: {  	_ =	shalt  }
0x7b: {  	_ =	shalt  }
0x7c: {  	_ =	shalt  }
0x7d: {  	_ =	shalt  }
0x7e: {  	_ =	shalt  }
0x7f: {  	_ =	shalt  }
0x80: {  	_ =	shalt  }
0x81: {  	_ =	shalt  }
0x82: {  	_ =	shalt  }
0x83: {  	_ =	shalt  }
0x84: {  	_ =	shalt  }
0x85: {  	_ =	shalt  }
0x86: {  	_ =	shalt  }
0x87: {  	_ =	shalt  }
.Lfunc_end0:
.L_simem_size_0:
called_computation_lowered:
.L_overlay_start_0:
0x88: {  	s2 =	sld [smem:$0x3FD9]  }
0x89: {  	s3 =	sld [smem:$0x3FFE];
	_ =	sdelay $0x1  }
0x8a: {  	s1 =	srdreg.scid  }
0x8b: {  	s0 =	sand.u32 $0x1, s1  }
0x8c: {  	s17 =	sshll.u32 s0, $0xA;
	s2 =	sadd.s32 s3, s2  }
0x8d: {  	s2 =	sadd.s32 s2, s17  }
0x8e: {  	[smem:$0x3FC1] =	sst s2  }
0x8f: {  	_ = 	snop  }
0x90: {  	s2 =	sld [smem:$0x3FC8]  }
0x91: {  	s18 =	sld [smem:$0x3FC6]  }
0x92: {  	s4 =	sld [smem:$0x3FC5]  }
0x93: {  	s5 =	sld [smem:$0x3FC4]  }
0x94: {  	s6 =	sld [smem:$0x3FC3]  }
0x95: {  	s7 =	sld [smem:$0x3FD0];
	(tm) =	ssettm $0x1  }
0x96: {  	s8 =	sld [smem:$0x3FFB];
	_ =	sdelay $0x3  }
0x97: {  	_ =	strace s8  }
0x98: {  	s8 =	sld [smem:$0x3FFC];
	_ =	sdelay $0x3  }
0x99: {  	_ =	strace s8  }
0x9a: {  	s8 =	sld [smem:$0x3FFD];
	_ =	sdelay $0x3  }
0x9b: {  	_ =	strace s8  }
0x9c: {  	_ =	strace $0x8FFFFFFF  }
0x9d: {  	s19 =	sld [smem:$0x3FDB];
	_ =	sdelay $0x1  }
0x9e: {  	s9 =	simm.s32 $_scs_section_size  }
0x9f: {  	s10 =	simm.s32 $_size__tile_overlayer_lowered;
	s11 =	simm.s32 $_tile_overlayer_lowered  }
0xa0: {  	s22 =	simm.s32 $0x1BFF;
	s21 =	sshll.u32 s11, $0x1;
	s8 =	sadd.s32 s9, s19  }
0xa1: {  	s12 =	simm.s32 $0x0;
	s20 =	sshll.u32 s10, $0x1;
	s10 =	sadd.s32 s21, s8  }
0xa2: {  	[timem:s12], [sflag:s22] =	dma.local [hbm:s10], s20  }
0xa3: {  	_ =	swait.ge [sflag:s22], s20  }
0xa4: {  	s9 =	ssub.s32 $0x0, s20;
	[sflag:s22] =	ssyncset.done $0x0  }
0xa5: {  	[sflag:s22] =	ssyncadd.s32 s9;
	_ =	sdelay $0x1  }
0xa6: {  	s23 =	simm.s32 $0x1B8B  }
0xa7: {  	_ =	swait.ge [sflag:s23], $0x1  }
0xa8: {  	[sflag:s23] =	ssyncset.done $0x0  }
0xa9: {  	s25 =	simm.s32 $0x1B8E;
	s24 =	sld [smem:$0x3FFE];
	[sflag:s23] =	ssyncadd.s32 $0xFFFFFFFF  }
0xaa: {  	s26 =	simm.s32 $execute0_lowered;
	[smem:$0x3FD2] =	sst s25  }
0xab: {  	s10 =	sshll.u32 s26, $0x1;
	_ =	strace $0x80000046;
	[dreg:$0x1] =	wrdreg $0xFFFFFFFF  }
0xac: {  	s28 =	simm.s32 $_size_execute0_lowered;
	s8 =	sadd.s32 s8, s10;
	[dreg:$0x0] =	wrdreg $0x0  }
0xad: {  	s10 =	sshll.u32 s28, $0x1;
	[dreg:$0x2] =	wrdreg s8  }
0xae: {  	[dreg:$0x3] =	wrdreg s10  }
0xaf: {  	[dreg:$0x4] =	wrdreg $0xC0  }
0xb0: {  	_ =	task [dreg:s12], $0x5FFFF  }
0xb1: {  	[dreg:$0x1] =	wrdreg $0xFFFFFFFF  }
0xb2: {  	[dreg:$0x0] =	wrdreg $0x60  }
0xb3: {  	[dreg:$0x2] =	wrdreg s24  }
0xb4: {  	[dreg:$0x3] =	wrdreg s2  }
0xb5: {  	[dreg:$0x4] =	wrdreg s18  }
0xb6: {  	[dreg:$0x5] =	wrdreg s4  }
0xb7: {  	[dreg:$0x6] =	wrdreg s5  }
0xb8: {  	[dreg:$0x7] =	wrdreg s6  }
0xb9: {  	[dreg:$0x8] =	wrdreg s7  }
0xba: {  	[dreg:$0x9] =	wrdreg $0xF3000  }
0xbb: {  	[dreg:$0xa] =	wrdreg $0x9  }
0xbc: {  	_ =	task.clear_ibuf [dreg:s12], $0xBFFFF;
	_ =	strace $0x90000046  }
0xbd: {  	s29 =	simm.s32 $0x9;
	_ =	strace $0x80000048  }
0xbe: {  	_ =	swait.ge [sflag:s29], $0x1  }
0xbf: {  	[sflag:s29] =	ssyncadd.s32 $0xFFFFFFFF  }
0xc0: {  	_ =	strace $0x90000048  }
0xc1: {  	_ =	sfence  }
0xc2: {  	s30 =	sld [smem:$0x0];
	_ =	sdelay $0x2  }
0xc3: {  	s31 =	sshll.u32 s1, $0xD;
	s1 =	sshrl.u32 s1, $0x2  }
0xc4: {  	s3 =	sand.u32 $0x4000, s31;
	s1 =	sadd.s32 s1, s30  }
0xc5: {  	s0 =	sor.u32 s3, s0;
	s1 =	sshll.u32 s1, $0x11  }
0xc6: {  	s0 =	sor.u32 s1, s0  }
0xc7: {  	s0 =	sadd.s32 $0x8F2B, s0  }
0xc8: {  	[sflag:s0] =	ssyncadd.remote.s32 $0x1  }
0xc9: {  	_ =	sfence.sel $0xFFFF  }
0xca: {  	[dreg:$0x0] =	wrdreg $0xFFFFFFFF;
	(pc) =	sbr.abs _section_cstart, $3  }
0xcb: {  	[dreg:$0x1] =	wrdreg $0xFFFFFFFF  }
0xcc: {  	_ =	task.clear_ibuf [dreg:s12], $0x2FFFF;
	_ =	strace $0x9FFFFFFF  }
0xcd: {  	(tm) =	ssettm $0x7FFFFFFF  }
tec
execute0_lowered:
.L_overlay_start_1:
0x0: {  	(tag) =	ssettag $0x1  }
0x1: {  	s1 =	rddreg [dreg:$0x0]  }
0x2: {  	s2 =	rddreg [dreg:$0x1]  }
0x3: {  	s0 =	rddreg [dreg:$0x2];
	s3 =	srdreg.scid  }
0x4: {  	s4 =	stileid.u32;
	s7 =	rddreg [dreg:$0x6]  }
0x5: {  	s5 =	rddreg [dreg:$0x7];
	s28 =	simm.s32 $0x6200;
	s29 =	simm.s32 $0x3  }
0x6: {  	s30 =	simm.s32 $0x6;
	s31 =	simm.s32 $0xA;
	s10 =	smul.u32 $0x3200, s4  }
0x7: {  	s3 =	sand.u32 $0x1, s3;
	s6 =	sshll.u32 s4, $0x1;
	s12 =	smul.u32 $0x190000, s4  }
0x8: {  	p0 =	sne.s32 s4, $0x0;
	s8 =	sor.u32 s3, s6;
	s11 =	smul.u32 $0x1900, s3  }
0x9: {  	s6 =	simm.s32 $0x0;
	s21 =	ssub.s32 $0x2, s3;
	s3 =	smul.u32 $0xC8000, s3  }
0xa: {  	s4 =	simm.s32 $0x4;
	s9 =	smul.u32 $0x1900, s8;
	[smem:$0x7FF] =	sst s6  }
0xb: {  	s13 =	sshrl.u32 s21, $0x1;
	s8 =	smul.u32 $0x19000, s8;
	_ =	strace $0x80000047  }
0xc: {  	s10 =	sadd.s32 s11, s10;
	s3 =	sadd.s32 s3, s12;
	s9 =	sshrl.u32 s9, $0x3  }
0xd: {  	s10 =	sshll.u32 s10, $0x4;
	s12 =	sshrl.u32 s3, $0x3;
	s8 =	sadd.s32 s2, s8  }
0xe: {  	s24 =	sor.u32 $0x3000, s3;
	s25 =	sadd.s32 s12, s7;
	[dreg:$0x19] =	wrdreg s8  }
0xf: {  	s1 =	sadd.s32 s9, s1;
	s16 =	sadd.s32 $0x200, s8;
	[dreg:$0xa] =	wrdreg s25  }
0x10: {  	s9 =	ssub.s32 s21, s13;
	s21 =	simm.s32 $0x9200;
	[dreg:$0x1a] =	wrdreg s16  }
0x11: {  	s26 =	sshrl.u32 s24, $0x3;
	s24 =	simm.s32 $0xC200;
	[dreg:$0x11] =	wrdreg s21  }
0x12: {  	s10 =	sadd.s32 s10, s2;
	s22 =	sadd.s32 $0x400, s1;
	[dreg:$0x14] =	wrdreg s24  }
0x13: {  	s13 =	sor.u32 $0x1000, s3;
	s23 =	sadd.s32 $0xA00, s10;
	[dreg:$0x17] =	wrdreg s22  }
0x14: {  	s3 =	sor.u32 $0x2000, s3;
	s1 =	sadd.s32 $0x6800, s1;
	[dreg:$0x9] =	wrdreg s23  }
0x15: {  	s2 =	simm.s32 $0xB;
	s12 =	sadd.s32 s26, s7;
	[dreg:$0x18] =	wrdreg s1  }
0x16: {  	s8 =	simm.s32 $0x0;
	s14 =	sadd.s32 $0x600, s10;
	[dreg:$0xb] =	wrdreg s12  }
0x17: {  	s15 =	sshrl.u32 s3, $0x3;
	s18 =	smax.u32 s9, $0x1;
	[dreg:$0xc] =	wrdreg s14  }
0x18: {  	s19 =	sadd.s32 $0x400, s10;
	s20 =	sadd.s32 $0x800, s10;
	[dreg:$0x1b] =	wrdreg s18  }
0x19: {  	s25 =	simm.s32 $0xD200;
	s26 =	simm.s32 $0xE200;
	[dreg:$0xf] =	wrdreg s19  }
0x1a: {  	s24 =	simm.s32 $0x2;
	s3 =	simm.s32 $0x8;
	[dreg:$0x10] =	wrdreg s20  }
0x1b: {  	s1 =	sshrl.u32 s13, $0x3;
	s17 =	sadd.s32 s15, s7;
	[dreg:$0x15] =	wrdreg s25  }
0x1c: {  	s13 =	simm.s32 $0x11;
	s22 =	simm.s32 $0xB200;
	[dreg:$0x16] =	wrdreg s26  }
0x1d: {  	s20 =	simm.s32 $0x4200;
	s23 =	simm.s32 $0xA200;
	[dreg:$0xe] =	wrdreg s17  }
0x1e: {  	s25 =	simm.s32 $0x5;
	s26 =	simm.s32 $0x9;
	[dreg:$0x12] =	wrdreg s22  }
0x1f: {  	s15 =	simm.s32 $0xC;
	s1 =	sadd.s32 s1, s7;
	[dreg:$0x13] =	wrdreg s23  }
0x20: {  	s17 =	simm.s32 $0x20;
	[dreg:$0xd] =	wrdreg s1;
	s1 =	sshrl.u32 @!p0 s5, $0x3  }
0x21: {  	s23 =	simm.s32 $0x5200;
	[dreg:$0x1c] =	wrdreg s1;
	s1 =	simm.s32 $0x7  }
.LBB2_1:
0x22: {  	s7 =	rddreg [dreg:$0x3]  }
0x23: {  	s9 =	simm.s32 @!p0 $0x1C11;
	s10 =	rddreg [dreg:$0x1c]  }
0x24: {  	[spmem:s10], [sflag:s9] =	dma.local @!p0 [hbm:s7], $0x2000  }
0x25: {  	s9 =	simm.s32 @!p0 $0x11  }
0x26: {  	_ =	swait.ge @!p0 [sflag:s9], $0x2000  }
0x27: {  	[sflag:s9] =	ssyncset.done @!p0 $0x0  }
0x28: {  	s18 =	rddreg [dreg:$0x17];
	[sflag:s9] =	ssyncadd.s32 @!p0 $0xFFFFE000  }
0x29: {  	[tilespmem:s6], [sflag:$0x11] =	stream.linear.gather [hbm4b:s18+s6], $0x1900, $0x38;
	[tilespmem:$0x10300] =	vst v63  }
0x2a: {  	_ =	swait.ge [sflag:s13], $0x1900  }
0x2b: {  	[sflag:s13] =	ssyncset.done $0x0  }
0x2c: {  	s9 =	simm.s32 $0x1900;
	s19 =	rddreg [dreg:$0x18];
	[sflag:s13] =	ssyncadd.s32 $0xFFFFE700  }
0x2d: {  	[tilespmem:s9], [sflag:$0x11] =	stream.linear.gather [hbm4b:s19+s6], $0x1900, $0x38;
	[tilespmem:$0x10300] =	vst v63  }
0x2e: {  	_ =	swait.ge [sflag:s13], $0x1900  }
0x2f: {  	[sflag:s13] =	ssyncset.done $0x0  }
0x30: {  	[sflag:s13] =	ssyncadd.s32 $0xFFFFE700  }
0x31: {  	s22 =	simm.s32 $0xF200;
	s21 =	rddreg [dreg:$0x4]  }
0x32: {  	[tilespmem:s22], [sflag:$0x11] =	stream.linear.gather [hbm4b:s21+s6], $0x80, $0x38;
	[tilespmem:$0x10300] =	vst v63  }
0x33: {  	_ =	swait.ge [sflag:s13], $0x80  }
0x34: {  	[sflag:s13] =	ssyncset.done $0x0  }
0x35: {  	[sflag:s13] =	ssyncadd.s32 $0xFFFFFF80  }
0x36: {  	s11 =	simm.s32 $0xF280;
	s10 =	rddreg [dreg:$0x5]  }
0x37: {  	[tilespmem:s11], [sflag:$0x11] =	stream.linear.gather [hbm4b:s10+s6], $0x80, $0x38;
	[tilespmem:$0x10300] =	vst v63  }
0x38: {  	_ =	swait.ge [sflag:s13], $0x80  }
0x39: {  	[sflag:s13] =	ssyncset.done $0x0  }
0x3a: {  	[sflag:s13] =	ssyncadd.s32 $0xFFFFFF80  }
0x3b: {  	s12 =	simm.s32 $0x3200;
	[bflag:$0x0] =	sbarrier.arrive $0xFFFF  }
0x3c: {  	[tilespmem:s12], [sflag:$0x1] =	stream.indirect.gather [hbm4b:s0+s17], $0x80, s6, s17, $0xb8;
	[tilespmem:$0x10300] =	vst v63  }
0x3d: {  	s11 =	simm.s32 $0x7200;
	s14 =	rddreg [dreg:$0x19]  }
0x3e: {  	[tilespmem:s11], [sflag:$0x9] =	stream.linear.gather [hbm4b:s14+s6], $0x1000, $0x38;
	[tilespmem:$0x10300] =	vst v63  }
0x3f: {  	_ = 	snop  }
0x40: {  	[tilespmem:s20], [sflag:$0x2] =	stream.indirect.gather [hbm4b:s0+s17], $0x80, s17, s17, $0xb8;
	[tilespmem:$0x10300] =	vst v63  }
0x41: {  	s18 =	simm.s32 $0x8200;
	s19 =	simm.s32 $0x1;
	s16 =	rddreg [dreg:$0x1a]  }
0x42: {  	[tilespmem:s18], [sflag:$0xA] =	stream.linear.gather [hbm4b:s16+s6], $0x1000, $0x38;
	[tilespmem:$0x10300] =	vst v63  }
0x43: {  	_ =	swait.ge [sflag:s19], $0x1000  }
0x44: {  	[sflag:s19] =	ssyncset.done $0x0  }
0x45: {  	[sflag:s19] =	ssyncadd.s32 $0xFFFFF000  }
0x46: {  	[tilespmem:s12], [sflag:$0x5] =	stream.indirect.gather.add.f32 [spmem:s5], $0x80, s9, s17, $0xb8;
	[tilespmem:$0x10300] =	vst v63  }
0x47: {  	s22 =	simm.s32 $0x40;
	s21 =	rddreg [dreg:$0xf]  }
0x48: {  	[tilespmem:s23], [sflag:$0x3] =	stream.indirect.gather [hbm4b:s0+s17], $0x80, s22, s17, $0xb8;
	[tilespmem:$0x10300] =	vst v63  }
0x49: {  	s7 =	rddreg [dreg:$0x11];
	s9 =	sadd.s32 $0x0, s21  }
0x4a: {  	[tilespmem:s7], [sflag:$0xB] =	stream.linear.gather [hbm4b:s9+s6], $0x1000, $0x38;
	[tilespmem:$0x10300] =	vst v63  }
0x4b: {  	_ =	swait.ge [sflag:s24], $0x1000  }
0x4c: {  	[sflag:s24] =	ssyncset.done $0x0  }
0x4d: {  	s12 =	simm.s32 $0x1920;
	[sflag:s24] =	ssyncadd.s32 $0xFFFFF000  }
0x4e: {  	[tilespmem:s20], [sflag:$0x6] =	stream.indirect.gather.add.f32 [spmem:s5], $0x80, s12, s17, $0xb8;
	[tilespmem:$0x10300] =	vst v63  }
0x4f: {  	_ =	swait.ge [sflag:s25], $0x1000  }
0x50: {  	[sflag:s25] =	ssyncset.done $0x0  }
0x51: {  	[sflag:s25] =	ssyncadd.s32 $0xFFFFF000  }
0x52: {  	_ =	swait.ge [sflag:s26], $0x1000  }
0x53: {  	p1 =	por $0x1, $0x1;
	[sflag:s26] =	ssyncset.done $0x0  }
0x54: {  	s9 =	simm.s32 @!p1 $0xD;
	[sflag:s26] =	ssyncadd.s32 $0xFFFFF000  }
0x55: {  	_ =	swait.ge @!p1 [sflag:s9], $0x1000  }
0x56: {  	s14 =	rddreg [dreg:$0xa];
	[sflag:s9] =	ssyncset.done @!p1 $0x0  }
0x57: {  	s16 =	rddreg [dreg:$0x12];
	[sflag:s9] =	ssyncadd.s32 @!p1 $0xFFFFF000;
	s18 =	sadd.s32 $0x0, s14  }
0x58: {  	[hbm4b:s18+s6] =	stream.linear.scatter [tilespmem:s16], [sflag:$0xD], $0x1000, $0x38;
	[tilespmem:$0x10300] =	vst v63  }
0x59: {  	s21 =	simm.s32 $0x60;
	s19 =	rddreg [dreg:$0xc]  }
0x5a: {  	[tilespmem:s28], [sflag:$0x4] =	stream.indirect.gather [hbm4b:s0+s17], $0x80, s21, s17, $0xb8;
	[tilespmem:$0x10300] =	vst v63  }
0x5b: {  	s22 =	rddreg [dreg:$0x13];
	s7 =	sadd.s32 $0x0, s19  }
0x5c: {  	[tilespmem:s22], [sflag:$0xC] =	stream.linear.gather [hbm4b:s7+s6], $0x1000, $0x38;
	[tilespmem:$0x10300] =	vst v63  }
0x5d: {  	_ =	swait.ge [sflag:s29], $0x1000  }
0x5e: {  	[sflag:s29] =	ssyncset.done $0x0  }
0x5f: {  	s10 =	simm.s32 $0x1940;
	[sflag:s29] =	ssyncadd.s32 $0xFFFFF000  }
0x60: {  	[tilespmem:s23], [sflag:$0x7] =	stream.indirect.gather.add.f32 [spmem:s5], $0x80, s10, s17, $0xb8;
	[tilespmem:$0x10300] =	vst v63  }
0x61: {  	_ =	swait.ge [sflag:s30], $0x1000  }
0x62: {  	[sflag:s30] =	ssyncset.done $0x0  }
0x63: {  	[sflag:s30] =	ssyncadd.s32 $0xFFFFF000  }
0x64: {  	_ =	swait.ge [sflag:s31], $0x1000  }
0x65: {  	[sflag:s31] =	ssyncset.done $0x0  }
0x66: {  	s9 =	simm.s32 @!p1 $0xE;
	[sflag:s31] =	ssyncadd.s32 $0xFFFFF000  }
0x67: {  	p2 =	por $0x0, $0x0;
	_ =	swait.ge @!p1 [sflag:s9], $0x1000  }
0x68: {  	s10 =	simm.s32 @!p2 $0x20;
	s11 =	rddreg [dreg:$0xd];
	[sflag:s9] =	ssyncset.done @!p1 $0x0  }
0x69: {  	s14 =	rddreg [dreg:$0x14];
	[sflag:s9] =	ssyncadd.s32 @!p1 $0xFFFFF000;
	s16 =	sadd.s32 $0x0, s11  }
0x6a: {  	[hbm4b:s16+s6] =	stream.linear.scatter [tilespmem:s14], [sflag:$0xE], $0x1000, $0x38;
	[tilespmem:$0x10300] =	vst v63  }
0x6b: {  	s12 =	rddreg [dreg:$0x10];
	s9 =	simm.s32 @!p2 $0x80;
	s11 =	simm.s32 @!p2 $0x3200  }
0x6c: {  	[tilespmem:s11], [sflag:$0x1] =	stream.indirect.gather @!p2 [hbm4b:s0+s10], $0x80, s9, s10, $0xb8;
	[tilespmem:$0x10300] =	vst v63  }
0x6d: {  	s14 =	simm.s32 @!p2 $0x7200;
	s9 =	sadd.s32 @!p2 $0x0, s12;
	s12 =	simm.s32 @!p2 $0x0  }
0x6e: {  	[tilespmem:s14], [sflag:$0x9] =	stream.linear.gather @!p2 [hbm4b:s9+s12], $0x1000, $0x38;
	[tilespmem:$0x10300] =	vst v63  }
0x6f: {  	_ =	swait.ge [sflag:s4], $0x1000  }
0x70: {  	[sflag:s4] =	ssyncset.done $0x0  }
0x71: {  	s18 =	simm.s32 $0x1960;
	[sflag:s4] =	ssyncadd.s32 $0xFFFFF000  }
0x72: {  	[tilespmem:s28], [sflag:$0x8] =	stream.indirect.gather.add.f32 [spmem:s5], $0x80, s18, s17, $0xb8;
	[tilespmem:$0x10300] =	vst v63  }
0x73: {  	_ =	swait.ge [sflag:s1], $0x1000  }
0x74: {  	[sflag:s1] =	ssyncset.done $0x0  }
0x75: {  	[sflag:s1] =	ssyncadd.s32 $0xFFFFF000  }
0x76: {  	_ =	swait.ge [sflag:s2], $0x1000  }
0x77: {  	[sflag:s2] =	ssyncset.done $0x0  }
0x78: {  	s9 =	simm.s32 @!p1 $0xF;
	[sflag:s2] =	ssyncadd.s32 $0xFFFFF000  }
0x79: {  	_ =	swait.ge @!p1 [sflag:s9], $0x1000  }
0x7a: {  	s19 =	rddreg [dreg:$0xe];
	[sflag:s9] =	ssyncset.done @!p1 $0x0  }
0x7b: {  	s18 =	rddreg [dreg:$0x15];
	[sflag:s9] =	ssyncadd.s32 @!p1 $0xFFFFF000;
	s21 =	sadd.s32 $0x0, s19  }
0x7c: {  	[hbm4b:s21+s6] =	stream.linear.scatter [tilespmem:s18], [sflag:$0xF], $0x1000, $0x38;
	[tilespmem:$0x10300] =	vst v63  }
0x7d: {  	s14 =	rddreg [dreg:$0x9];
	s9 =	simm.s32 @!p2 $0xA0;
	s18 =	simm.s32 @!p2 $0x4200  }
0x7e: {  	[tilespmem:s18], [sflag:$0x2] =	stream.indirect.gather @!p2 [hbm4b:s0+s10], $0x80, s9, s10, $0xb8;
	[tilespmem:$0x10300] =	vst v63  }
0x7f: {  	s9 =	sadd.s32 @!p2 $0x0, s14;
	s14 =	simm.s32 @!p2 $0x8200;
	s18 =	simm.s32 @!p2 $0x1  }
0x80: {  	[tilespmem:s14], [sflag:$0xA] =	stream.linear.gather @!p2 [hbm4b:s9+s12], $0x1000, $0x38;
	[tilespmem:$0x10300] =	vst v63  }
0x81: {  	_ =	swait.ge @!p2 [sflag:s18], $0x1000  }
0x82: {  	[sflag:s18] =	ssyncset.done @!p2 $0x0  }
0x83: {  	s9 =	simm.s32 @!p2 $0x1980;
	[sflag:s18] =	ssyncadd.s32 @!p2 $0xFFFFF000  }
0x84: {  	[tilespmem:s11], [sflag:$0x5] =	stream.indirect.gather.add.f32 @!p2 [spmem:s5], $0x80, s9, s10, $0xb8;
	[tilespmem:$0x10300] =	vst v63  }
0x85: {  	_ =	swait.ge [sflag:s3], $0x1000  }
0x86: {  	[sflag:s3] =	ssyncset.done $0x0  }
0x87: {  	[sflag:s3] =	ssyncadd.s32 $0xFFFFF000  }
0x88: {  	_ =	swait.ge [sflag:s15], $0x1000  }
0x89: {  	[sflag:s15] =	ssyncset.done $0x0  }
0x8a: {  	s9 =	simm.s32 @!p1 $0x10;
	[sflag:s15] =	ssyncadd.s32 $0xFFFFF000  }
0x8b: {  	_ =	swait.ge @!p1 [sflag:s9], $0x1000  }
0x8c: {  	s22 =	rddreg [dreg:$0xb]  }
0x8d: {  	s14 =	simm.s32 $0x400;
	s11 =	simm.s32 $0x200;
	s18 =	rddreg [dreg:$0x16]  }
0x8e: {  	s10 =	simm.s32 $0x800;
	[sflag:s9] =	ssyncset.done @!p1 $0x0;
	s12 =	rddreg [dreg:$0xf]  }
0x8f: {  	[sflag:s9] =	ssyncadd.s32 @!p1 $0xFFFFF000;
	s9 =	simm.s32 $0x80;
	s22 =	sadd.s32 $0x0, s22  }
.LBB2_2:
0x90: {  	[hbm4b:s22+s6] =	stream.linear.scatter [tilespmem:s18], [sflag:$0x10], $0x1000, $0x38;
	[tilespmem:$0x10300] =	vst v63  }
0x91: {  	s19 =	sadd.s32 $0x40, s9  }
0x92: {  	[tilespmem:s23], [sflag:$0x3] =	stream.indirect.gather [hbm4b:s0+s17], $0x80, s19, s17, $0xb8;
	[tilespmem:$0x10300] =	vst v63  }
0x93: {  	s16 =	rddreg [dreg:$0x11];
	s12 =	sadd.s32 s10, s12  }
0x94: {  	[tilespmem:s16], [sflag:$0xB] =	stream.linear.gather [hbm4b:s12+s6], $0x1000, $0x38;
	[tilespmem:$0x10300] =	vst v63  }
0x95: {  	_ =	swait.ge [sflag:s24], $0x1000  }
0x96: {  	[sflag:s24] =	ssyncset.done $0x0  }
0x97: {  	s21 =	sadd.s32 $0x1920, s9;
	[sflag:s24] =	ssyncadd.s32 $0xFFFFF000  }
0x98: {  	[tilespmem:s20], [sflag:$0x6] =	stream.indirect.gather.add.f32 [spmem:s5], $0x80, s21, s17, $0xb8;
	[tilespmem:$0x10300] =	vst v63  }
0x99: {  	_ =	swait.ge [sflag:s25], $0x1000  }
0x9a: {  	[sflag:s25] =	ssyncset.done $0x0  }
0x9b: {  	[sflag:s25] =	ssyncadd.s32 $0xFFFFF000  }
0x9c: {  	_ =	swait.ge [sflag:s26], $0x1000  }
0x9d: {  	p2 =	seq.s32 s11, $0x0;
	[sflag:s26] =	ssyncset.done $0x0  }
0x9e: {  	s12 =	simm.s32 @!p2 $0xD;
	[sflag:s26] =	ssyncadd.s32 $0xFFFFF000  }
0x9f: {  	_ =	swait.ge @!p2 [sflag:s12], $0x1000  }
0xa0: {  	s22 =	rddreg [dreg:$0xa];
	[sflag:s12] =	ssyncset.done @!p2 $0x0  }
0xa1: {  	s7 =	rddreg [dreg:$0x12];
	[sflag:s12] =	ssyncadd.s32 @!p2 $0xFFFFF000;
	s19 =	sadd.s32 s10, s22  }
0xa2: {  	[hbm4b:s19+s6] =	stream.linear.scatter [tilespmem:s7], [sflag:$0xD], $0x1000, $0x38;
	[tilespmem:$0x10300] =	vst v63  }
0xa3: {  	s21 =	rddreg [dreg:$0xc];
	s22 =	sadd.s32 $0x60, s9  }
0xa4: {  	[tilespmem:s28], [sflag:$0x4] =	stream.indirect.gather [hbm4b:s0+s17], $0x80, s22, s17, $0xb8;
	[tilespmem:$0x10300] =	vst v63  }
0xa5: {  	s7 =	rddreg [dreg:$0x13];
	s19 =	sadd.s32 s10, s21  }
0xa6: {  	[tilespmem:s7], [sflag:$0xC] =	stream.linear.gather [hbm4b:s19+s6], $0x1000, $0x38;
	[tilespmem:$0x10300] =	vst v63  }
0xa7: {  	_ =	swait.ge [sflag:s29], $0x1000  }
0xa8: {  	[sflag:s29] =	ssyncset.done $0x0  }
0xa9: {  	s21 =	sadd.s32 $0x1940, s9;
	[sflag:s29] =	ssyncadd.s32 $0xFFFFF000  }
0xaa: {  	[tilespmem:s23], [sflag:$0x7] =	stream.indirect.gather.add.f32 [spmem:s5], $0x80, s21, s17, $0xb8;
	[tilespmem:$0x10300] =	vst v63  }
0xab: {  	_ =	swait.ge [sflag:s30], $0x1000  }
0xac: {  	[sflag:s30] =	ssyncset.done $0x0  }
0xad: {  	[sflag:s30] =	ssyncadd.s32 $0xFFFFF000  }
0xae: {  	_ =	swait.ge [sflag:s31], $0x1000  }
0xaf: {  	[sflag:s31] =	ssyncset.done $0x0  }
0xb0: {  	s12 =	simm.s32 @!p2 $0xE;
	[sflag:s31] =	ssyncadd.s32 $0xFFFFF000  }
0xb1: {  	_ =	swait.ge @!p2 [sflag:s12], $0x1000  }
0xb2: {  	p3 =	seq.s32 s11, $0x6200;
	s22 =	rddreg [dreg:$0xd]  }
0xb3: {  	s11 =	sshra.s32 @!p3 s11, $0x2;
	s7 =	rddreg [dreg:$0x14];
	[sflag:s12] =	ssyncset.done @!p2 $0x0  }
0xb4: {  	s19 =	rddreg [dreg:$0x10];
	[sflag:s12] =	ssyncadd.s32 @!p2 $0xFFFFF000;
	s16 =	sadd.s32 s10, s22  }
0xb5: {  	[hbm4b:s16+s6] =	stream.linear.scatter [tilespmem:s7], [sflag:$0xE], $0x1000, $0x38;
	[tilespmem:$0x10300] =	vst v63  }
0xb6: {  	s12 =	simm.s32 @!p3 $0x20;
	s22 =	simm.s32 @!p3 $0x3200;
	s16 =	sadd.s32 @!p3 $0x80, s11  }
0xb7: {  	[tilespmem:s22], [sflag:$0x1] =	stream.indirect.gather @!p3 [hbm4b:s0+s12], $0x80, s16, s12, $0xb8;
	[tilespmem:$0x10300] =	vst v63  }
0xb8: {  	s21 =	simm.s32 @!p3 $0x7200;
	s16 =	sadd.s32 @!p3 s10, s19;
	s19 =	simm.s32 @!p3 $0x0  }
0xb9: {  	[tilespmem:s21], [sflag:$0x9] =	stream.linear.gather @!p3 [hbm4b:s16+s19], $0x1000, $0x38;
	[tilespmem:$0x10300] =	vst v63  }
0xba: {  	s18 =	smov.u32 s14;
	_ =	swait.ge [sflag:s4], $0x1000  }
0xbb: {  	s16 =	sadd.s32 @!p3 $0xA0, s11;
	s21 =	sadd.s32 @!p3 $0x1980, s11;
	[sflag:s4] =	ssyncset.done $0x0  }
0xbc: {  	s11 =	smov.u32 s18;
	s18 =	sadd.s32 $0x1960, s9;
	[sflag:s4] =	ssyncadd.s32 $0xFFFFF000  }
0xbd: {  	[tilespmem:s28], [sflag:$0x8] =	stream.indirect.gather.add.f32 [spmem:s5], $0x80, s18, s17, $0xb8;
	[tilespmem:$0x10300] =	vst v63  }
0xbe: {  	_ =	swait.ge [sflag:s1], $0x1000  }
0xbf: {  	[sflag:s1] =	ssyncset.done $0x0  }
0xc0: {  	[sflag:s1] =	ssyncadd.s32 $0xFFFFF000  }
0xc1: {  	_ =	swait.ge [sflag:s2], $0x1000  }
0xc2: {  	[sflag:s2] =	ssyncset.done $0x0  }
0xc3: {  	s9 =	simm.s32 @!p2 $0xF;
	[sflag:s2] =	ssyncadd.s32 $0xFFFFF000  }
0xc4: {  	_ =	swait.ge @!p2 [sflag:s9], $0x1000  }
0xc5: {  	s18 =	rddreg [dreg:$0xe];
	[sflag:s9] =	ssyncset.done @!p2 $0x0  }
0xc6: {  	s7 =	rddreg [dreg:$0x15];
	[sflag:s9] =	ssyncadd.s32 @!p2 $0xFFFFF000;
	s9 =	sadd.s32 s10, s18  }
0xc7: {  	[hbm4b:s9+s6] =	stream.linear.scatter [tilespmem:s7], [sflag:$0xF], $0x1000, $0x38;
	[tilespmem:$0x10300] =	vst v63  }
0xc8: {  	s18 =	rddreg [dreg:$0x9];
	s7 =	simm.s32 @!p3 $0x4200  }
0xc9: {  	[tilespmem:s7], [sflag:$0x2] =	stream.indirect.gather @!p3 [hbm4b:s0+s12], $0x80, s16, s12, $0xb8;
	[tilespmem:$0x10300] =	vst v63  }
0xca: {  	s9 =	simm.s32 @!p3 $0x8200;
	s7 =	sadd.s32 @!p3 s10, s18;
	s16 =	simm.s32 @!p3 $0x1  }
0xcb: {  	[tilespmem:s9], [sflag:$0xA] =	stream.linear.gather @!p3 [hbm4b:s7+s19], $0x1000, $0x38;
	[tilespmem:$0x10300] =	vst v63  }
0xcc: {  	_ =	swait.ge @!p3 [sflag:s16], $0x1000  }
0xcd: {  	[sflag:s16] =	ssyncset.done @!p3 $0x0  }
0xce: {  	[sflag:s16] =	ssyncadd.s32 @!p3 $0xFFFFF000  }
0xcf: {  	[tilespmem:s22], [sflag:$0x5] =	stream.indirect.gather.add.f32 @!p3 [spmem:s5], $0x80, s21, s12, $0xb8;
	[tilespmem:$0x10300] =	vst v63  }
0xd0: {  	_ =	swait.ge [sflag:s3], $0x1000  }
0xd1: {  	[sflag:s3] =	ssyncset.done $0x0  }
0xd2: {  	[sflag:s3] =	ssyncadd.s32 $0xFFFFF000  }
0xd3: {  	_ =	swait.ge [sflag:s15], $0x1000  }
0xd4: {  	s14 =	sadd.s32 $0x200, s14;
	[sflag:s15] =	ssyncset.done $0x0  }
0xd5: {  	p1 =	sne.s32 s14, $0x6400;
	s7 =	simm.s32 @!p2 $0x10;
	[sflag:s15] =	ssyncadd.s32 $0xFFFFF000  }
.Ltmp0:
0xd6: {  	_ =	swait.ge @!p2 [sflag:s7], $0x1000;
	(pc) =	sbr.rel @p1 .LBB2_2-.Ltmp0, $4  }
0xd7: {  	s22 =	rddreg [dreg:$0xb]  }
0xd8: {  	s18 =	rddreg [dreg:$0x16]  }
0xd9: {  	s9 =	sshra.s32 s11, $0x2;
	[sflag:s7] =	ssyncset.done @!p2 $0x0;
	s12 =	rddreg [dreg:$0xf]  }
0xda: {  	[sflag:s7] =	ssyncadd.s32 @!p2 $0xFFFFF000;
	s22 =	sadd.s32 s10, s22;
	s10 =	sadd.s32 $0x800, s10  }
0xdb: {  	[hbm4b:s22+s6] =	stream.linear.scatter [tilespmem:s18], [sflag:$0x10], $0x1000, $0x38;
	[tilespmem:$0x10300] =	vst v63  }
0xdc: {  	s7 =	sadd.s32 $0x40, s9  }
0xdd: {  	[tilespmem:s23], [sflag:$0x3] =	stream.indirect.gather [hbm4b:s0+s17], $0x80, s7, s17, $0xb8;
	[tilespmem:$0x10300] =	vst v63  }
0xde: {  	s14 =	rddreg [dreg:$0x11];
	s12 =	sadd.s32 s10, s12  }
0xdf: {  	[tilespmem:s14], [sflag:$0xB] =	stream.linear.gather [hbm4b:s12+s6], $0x1000, $0x38;
	[tilespmem:$0x10300] =	vst v63  }
0xe0: {  	_ =	swait.ge [sflag:s24], $0x1000  }
0xe1: {  	[sflag:s24] =	ssyncset.done $0x0  }
0xe2: {  	s16 =	sadd.s32 $0x1920, s9;
	[sflag:s24] =	ssyncadd.s32 $0xFFFFF000  }
0xe3: {  	[tilespmem:s20], [sflag:$0x6] =	stream.indirect.gather.add.f32 [spmem:s5], $0x80, s16, s17, $0xb8;
	[tilespmem:$0x10300] =	vst v63  }
0xe4: {  	_ =	swait.ge [sflag:s25], $0x1000  }
0xe5: {  	[sflag:s25] =	ssyncset.done $0x0  }
0xe6: {  	[sflag:s25] =	ssyncadd.s32 $0xFFFFF000  }
0xe7: {  	_ =	swait.ge [sflag:s26], $0x1000  }
0xe8: {  	p1 =	seq.s32 s11, $0x0;
	[sflag:s26] =	ssyncset.done $0x0  }
0xe9: {  	s7 =	simm.s32 @!p1 $0xD;
	[sflag:s26] =	ssyncadd.s32 $0xFFFFF000  }
0xea: {  	_ =	swait.ge @!p1 [sflag:s7], $0x1000  }
0xeb: {  	s18 =	rddreg [dreg:$0xa];
	[sflag:s7] =	ssyncset.done @!p1 $0x0  }
0xec: {  	s19 =	rddreg [dreg:$0x12];
	[sflag:s7] =	ssyncadd.s32 @!p1 $0xFFFFF000;
	s21 =	sadd.s32 s10, s18  }
0xed: {  	[hbm4b:s21+s6] =	stream.linear.scatter [tilespmem:s19], [sflag:$0xD], $0x1000, $0x38;
	[tilespmem:$0x10300] =	vst v63  }
0xee: {  	s14 =	sadd.s32 $0x60, s9;
	s22 =	rddreg [dreg:$0xc]  }
0xef: {  	[tilespmem:s28], [sflag:$0x4] =	stream.indirect.gather [hbm4b:s0+s17], $0x80, s14, s17, $0xb8;
	[tilespmem:$0x10300] =	vst v63  }
0xf0: {  	s16 =	rddreg [dreg:$0x13];
	s18 =	sadd.s32 s10, s22  }
0xf1: {  	[tilespmem:s16], [sflag:$0xC] =	stream.linear.gather [hbm4b:s18+s6], $0x1000, $0x38;
	[tilespmem:$0x10300] =	vst v63  }
0xf2: {  	_ =	swait.ge [sflag:s29], $0x1000  }
0xf3: {  	[sflag:s29] =	ssyncset.done $0x0  }
0xf4: {  	s19 =	sadd.s32 $0x1940, s9;
	[sflag:s29] =	ssyncadd.s32 $0xFFFFF000  }
0xf5: {  	[tilespmem:s23], [sflag:$0x7] =	stream.indirect.gather.add.f32 [spmem:s5], $0x80, s19, s17, $0xb8;
	[tilespmem:$0x10300] =	vst v63  }
0xf6: {  	_ =	swait.ge [sflag:s30], $0x1000  }
0xf7: {  	[sflag:s30] =	ssyncset.done $0x0  }
0xf8: {  	[sflag:s30] =	ssyncadd.s32 $0xFFFFF000  }
0xf9: {  	_ =	swait.ge [sflag:s31], $0x1000  }
0xfa: {  	[sflag:s31] =	ssyncset.done $0x0  }
0xfb: {  	p2 =	seq.s32 s11, $0x6200;
	s7 =	simm.s32 @!p1 $0xE;
	[sflag:s31] =	ssyncadd.s32 $0xFFFFF000  }
0xfc: {  	s11 =	sshra.s32 @!p2 s11, $0x2;
	_ =	swait.ge @!p1 [sflag:s7], $0x1000  }
0xfd: {  	s14 =	simm.s32 @!p2 $0x3200;
	s21 =	rddreg [dreg:$0xd];
	[sflag:s7] =	ssyncset.done @!p1 $0x0  }
0xfe: {  	s22 =	rddreg [dreg:$0x14];
	[sflag:s7] =	ssyncadd.s32 @!p1 $0xFFFFF000;
	s12 =	sadd.s32 s10, s21  }
0xff: {  	[hbm4b:s12+s6] =	stream.linear.scatter [tilespmem:s22], [sflag:$0xE], $0x1000, $0x38;
	[tilespmem:$0x10300] =	vst v63  }
0x100: {  	s16 =	rddreg [dreg:$0x10];
	s7 =	sadd.s32 @!p2 $0x80, s11;
	s12 =	simm.s32 @!p2 $0x20  }
0x101: {  	[tilespmem:s14], [sflag:$0x1] =	stream.indirect.gather @!p2 [hbm4b:s0+s12], $0x80, s7, s12, $0xb8;
	[tilespmem:$0x10300] =	vst v63  }
0x102: {  	s18 =	simm.s32 @!p2 $0x7200;
	s7 =	sadd.s32 @!p2 s10, s16;
	s16 =	simm.s32 @!p2 $0x0  }
0x103: {  	[tilespmem:s18], [sflag:$0x9] =	stream.linear.gather @!p2 [hbm4b:s7+s16], $0x1000, $0x38;
	[tilespmem:$0x10300] =	vst v63  }
0x104: {  	_ =	swait.ge [sflag:s4], $0x1000  }
0x105: {  	[sflag:s4] =	ssyncset.done $0x0  }
0x106: {  	s18 =	sadd.s32 $0x1960, s9;
	[sflag:s4] =	ssyncadd.s32 $0xFFFFF000  }
0x107: {  	[tilespmem:s28], [sflag:$0x8] =	stream.indirect.gather.add.f32 [spmem:s5], $0x80, s18, s17, $0xb8;
	[tilespmem:$0x10300] =	vst v63  }
0x108: {  	_ =	swait.ge [sflag:s1], $0x1000  }
0x109: {  	[sflag:s1] =	ssyncset.done $0x0  }
0x10a: {  	[sflag:s1] =	ssyncadd.s32 $0xFFFFF000  }
0x10b: {  	_ =	swait.ge [sflag:s2], $0x1000  }
0x10c: {  	[sflag:s2] =	ssyncset.done $0x0  }
0x10d: {  	s7 =	simm.s32 @!p1 $0xF;
	[sflag:s2] =	ssyncadd.s32 $0xFFFFF000  }
0x10e: {  	_ =	swait.ge @!p1 [sflag:s7], $0x1000  }
0x10f: {  	s19 =	rddreg [dreg:$0xe];
	[sflag:s7] =	ssyncset.done @!p1 $0x0  }
0x110: {  	s21 =	rddreg [dreg:$0x15];
	[sflag:s7] =	ssyncadd.s32 @!p1 $0xFFFFF000;
	s22 =	sadd.s32 s10, s19  }
0x111: {  	[hbm4b:s22+s6] =	stream.linear.scatter [tilespmem:s21], [sflag:$0xF], $0x1000, $0x38;
	[tilespmem:$0x10300] =	vst v63  }
0x112: {  	s18 =	simm.s32 @!p2 $0x4200;
	s9 =	rddreg [dreg:$0x9];
	s7 =	sadd.s32 @!p2 $0xA0, s11  }
0x113: {  	[tilespmem:s18], [sflag:$0x2] =	stream.indirect.gather @!p2 [hbm4b:s0+s12], $0x80, s7, s12, $0xb8;
	[tilespmem:$0x10300] =	vst v63  }
0x114: {  	s7 =	sadd.s32 @!p2 s10, s9;
	s9 =	simm.s32 @!p2 $0x8200  }
0x115: {  	[tilespmem:s9], [sflag:$0xA] =	stream.linear.gather @!p2 [hbm4b:s7+s16], $0x1000, $0x38;
	[tilespmem:$0x10300] =	vst v63  }
0x116: {  	s7 =	simm.s32 @!p2 $0x1  }
0x117: {  	_ =	swait.ge @!p2 [sflag:s7], $0x1000  }
0x118: {  	[sflag:s7] =	ssyncset.done @!p2 $0x0  }
0x119: {  	[sflag:s7] =	ssyncadd.s32 @!p2 $0xFFFFF000;
	s7 =	sadd.s32 @!p2 $0x1980, s11  }
0x11a: {  	[tilespmem:s14], [sflag:$0x5] =	stream.indirect.gather.add.f32 @!p2 [spmem:s5], $0x80, s7, s12, $0xb8;
	[tilespmem:$0x10300] =	vst v63  }
0x11b: {  	_ =	swait.ge [sflag:s3], $0x1000  }
0x11c: {  	[sflag:s3] =	ssyncset.done $0x0  }
0x11d: {  	[sflag:s3] =	ssyncadd.s32 $0xFFFFF000  }
0x11e: {  	_ =	swait.ge [sflag:s15], $0x1000  }
0x11f: {  	[sflag:s15] =	ssyncset.done $0x0  }
0x120: {  	s7 =	simm.s32 @!p1 $0x10;
	[sflag:s15] =	ssyncadd.s32 $0xFFFFF000  }
0x121: {  	_ =	swait.ge @!p1 [sflag:s7], $0x1000  }
0x122: {  	s16 =	simm.s32 $0xD;
	s11 =	rddreg [dreg:$0xb];
	[sflag:s7] =	ssyncset.done @!p1 $0x0  }
0x123: {  	s12 =	rddreg [dreg:$0x16];
	[sflag:s7] =	ssyncadd.s32 @!p1 $0xFFFFF000;
	s14 =	sadd.s32 s10, s11  }
0x124: {  	[hbm4b:s14+s6] =	stream.linear.scatter [tilespmem:s12], [sflag:$0x10], $0x1000, $0x38;
	[tilespmem:$0x10300] =	vst v63  }
0x125: {  	_ =	swait.ge [sflag:s16], $0x1000  }
0x126: {  	[sflag:s16] =	ssyncset.done $0x0  }
0x127: {  	s18 =	simm.s32 $0xE;
	[sflag:s16] =	ssyncadd.s32 $0xFFFFF000  }
0x128: {  	_ =	swait.ge [sflag:s18], $0x1000  }
0x129: {  	[sflag:s18] =	ssyncset.done $0x0  }
0x12a: {  	s19 =	simm.s32 $0xF;
	[sflag:s18] =	ssyncadd.s32 $0xFFFFF000  }
0x12b: {  	_ =	swait.ge [sflag:s19], $0x1000  }
0x12c: {  	[sflag:s19] =	ssyncset.done $0x0  }
0x12d: {  	s21 =	simm.s32 $0x10;
	[sflag:s19] =	ssyncadd.s32 $0xFFFFF000  }
0x12e: {  	_ =	swait.ge [sflag:s21], $0x1000  }
0x12f: {  	s8 =	sadd.s32 $0x1, s8;
	s22 =	rddreg [dreg:$0x1b]  }
0x130: {  	p1 =	sne.s32 s8, s22  }
.Ltmp1:
0x131: {  	_ = 	snop;
	(pc) =	sbr.rel @p1 .LBB2_1-.Ltmp1, $3  }
0x132: {  	_ =	sdelay $0x1  }
0x133: {  	[sflag:s21] =	ssyncset.done $0x0  }
0x134: {  	[sflag:s21] =	ssyncadd.s32 $0xFFFFF000  }
0x135: {  	_ =	sfence.sel $0x180000  }
0x136: {  	[bflag:$0x0] =	sbarrier.arrive $0xFFFF  }
0x137: {  	_ =	strace $0x90000047  }
0x138: {  	[bflag:$0x2] =	sbarrier.arrive $0xFFFF  }
0x139: {  	s0 =	rddreg [dreg:$0x8]  }
0x13a: {  	s0 =	sadd.s32 @!p0 $0x100000, s0  }
0x13b: {  	[sflag:s0] =	ssyncadd.tile.s32 @!p0 $0x1;
	_ =	shalt  }
.Lfunc_end2:
_tile_overlayer_lowered:
.L_overlay_start_2:
0x13c: {  	(tag) =	ssettag $0x2  }
0x13d: {  	s0 =	rddreg [dreg:$0x0];
	s2 =	stileid.u32  }
0x13e: {  	s1 =	rddreg [dreg:$0x1];
	p0 =	sne.s32 s2, $0x0  }
0x13f: {  	s3 =	rddreg [dreg:$0x2];
	[bflag:$0x3] =	sbarrier.arrive $0xFFFF;
	s2 =	simm.s32 @!p0 $0x1C11  }
0x140: {  	[timem:s3], [sflag:s2] =	dma.local @!p0 [hbm:s0], s1  }
0x141: {  	s0 =	simm.s32 @!p0 $0x11  }
0x142: {  	_ =	swait.ge @!p0 [sflag:s0], s1  }
0x143: {  	s1 =	ssub.s32 @!p0 $0x0, s1;
	[sflag:s0] =	ssyncset.done @!p0 $0x0  }
0x144: {  	[sflag:s0] =	ssyncadd.s32 @!p0 s1  }
0x145: {  	[bflag:$0x3] =	sbarrier.arrive $0xFFFF  }
0x146: {  	_ =	shalt  }

</sc_bundles>
